<compile_context>
chip_gen: v7x
topology: tpu7x:2x2x1
jax: 0.10.2.dev20260603
libtpu: 0.0.44.dev20260713+nightly
codegen_flags: <defaults>
</compile_context>

<pallas_src>
import functools

import jax
import jax.numpy as jnp
from jax import lax
from jax.experimental import pallas as pl
from jax.experimental.pallas import tpu as pltpu
from jax.experimental.pallas import tpu_sc as plsc

D = 100
DP = 128
NC = 2
NS = 16
NW = NC * NS
RPS = 128
SPG = 8
GROUP = RPS * SPG
QUART = GROUP // 4


@functools.lru_cache(maxsize=None)
def _build(n_idx, vocab):
    assert n_idx % (NW * GROUP) == 0
    b_per_w = n_idx // NW
    n_groups = b_per_w // GROUP
    mesh = plsc.VectorSubcoreMesh(core_axis_name="c", subcore_axis_name="s")

    assert n_groups % 2 == 1
    n_pairs = n_groups // 2

    @functools.partial(
        pl.kernel,
        out_type=jax.ShapeDtypeStruct((n_idx, DP), jnp.float32),
        mesh=mesh,
        compiler_params=pltpu.CompilerParams(use_tc_tiling_on_sc=False),
        scratch_types=[
            pltpu.VMEM((SPG, RPS), jnp.int32),
            pltpu.VMEM((SPG, RPS), jnp.int32),
            pltpu.VMEM((QUART, DP), jnp.float32),
            pltpu.VMEM((QUART, DP), jnp.float32),
            pltpu.SemaphoreType.DMA,
            pltpu.SemaphoreType.DMA,
            pltpu.SemaphoreType.DMA,
            pltpu.SemaphoreType.DMA,
            pltpu.SemaphoreType.DMA,
        ],
    )
    def emb(x_hbm, table_hbm, out_hbm, idxA, idxB, rows0, rows1,
            gsem, wsem0, wsem1, isemA, isemB):
        wid = lax.axis_index("s") * NC + lax.axis_index("c")
        base = wid * b_per_w
        base_row = base // RPS

        def fire_idx(g, idx_ref, isem):
            row0 = pl.multiple_of(base_row + g * SPG, SPG)
            pltpu.async_copy(x_hbm.at[pl.ds(row0, SPG)], idx_ref, isem)

        def wait_idx(idx_ref, isem):
            pltpu.make_async_copy(
                x_hbm.at[pl.ds(0, SPG)], idx_ref, isem
            ).wait()

        def drain_write(wsem):
            pltpu.make_async_copy(
                rows0, out_hbm.at[pl.ds(0, QUART)], wsem
            ).wait()

        def do_quarter(g, q, idx_ref, rbuf, wsem):
            copies = []
            for j in range(2):
                copies.append(
                    pltpu.async_copy(
                        table_hbm.at[idx_ref.at[2 * q + j]],
                        rbuf.at[pl.ds(j * RPS, RPS)],
                        gsem,
                    )
                )
            for c in copies:
                c.wait()
            obase = pl.multiple_of(base + g * GROUP + q * QUART, QUART)
            pltpu.async_copy(rbuf, out_hbm.at[pl.ds(obase, QUART)], wsem)

        def do_group(g, idx_ref, skip_first_drains):
            for q, rbuf, wsem in ((0, rows0, wsem0), (1, rows1, wsem1)):
                if skip_first_drains is None:
                    drain_write(wsem)
                else:
                    @pl.when(skip_first_drains)
                    def _():
                        drain_write(wsem)

                do_quarter(g, q, idx_ref, rbuf, wsem)
            for q, rbuf, wsem in ((2, rows0, wsem0), (3, rows1, wsem1)):
                drain_write(wsem)
                do_quarter(g, q, idx_ref, rbuf, wsem)

        fire_idx(0, idxA, isemA)

        def body(p, carry):
            wait_idx(idxA, isemA)
            fire_idx(2 * p + 1, idxB, isemB)
            do_group(2 * p, idxA, p >= 1)
            wait_idx(idxB, isemB)
            fire_idx(2 * p + 2, idxA, isemA)
            do_group(2 * p + 1, idxB, None)
            return carry

        lax.fori_loop(0, n_pairs, body, 0)
        wait_idx(idxA, isemA)
        do_group(n_groups - 1, idxA, None)
        drain_write(wsem0)
        drain_write(wsem1)

    return emb


def kernel(x, table):
    b, h = x.shape
    n_idx = b * h
    xf = x.astype(jnp.int32).reshape(n_idx // RPS, RPS)
    tpad = jnp.pad(table, ((0, 0), (0, DP - D)))
    out = _build(n_idx, table.shape[0])(xf, tpad)
    return out[:, :D].reshape(b, h, D)

# --- scband reference (transcript-rebuilt; emitter-appended) ---
"""Pipeline reference for scband-glo-ve-embedding-52355651338401 (READ-ONLY COPY).

The authoritative reference and input builder live on the scoring server;
editing this copy changes nothing except your own understanding.
"""

import jax, jax.numpy as jnp
import numpy as np

VOCAB_SIZE = 100000
EMBED_DIM = 100
PADDING_IDX = 0
BATCH = 4096
HIST = 200

def setup_inputs(seed: int = 0) -> dict:
    key = jax.random.key(seed)
    k_idx, k_tab = jax.random.split(key)
    x = jax.random.randint(k_idx, (BATCH, HIST), 0, VOCAB_SIZE + 1, dtype=jnp.int64 if jax.config.jax_enable_x64 else jnp.int32)
    # Embedding matrix of shape [vocab_size+1, embedding_dim], padding row zeroed
    table = jax.random.normal(k_tab, (VOCAB_SIZE + 1, EMBED_DIM), dtype=jnp.float32)
    table = table.at[PADDING_IDX].set(0.0)
    return {"x": x, "table": table}

def reference(x, table):
    # GloVeEmbedding.forward: frozen Embedding lookup (from_pretrained, padding_idx=0)
    return jnp.take(table, x, axis=0)

if __name__ == "__main__":
    import jax
    _d = setup_inputs()
    print(jax.jit(kernel)(*tuple(_d.values())))

</pallas_src>

<mosaic_0001>
#map = affine_map<(d0, d1) -> (0, 0)>
module attributes {stable_mosaic.version = 14 : i64} {
  func.func @emb(%arg0: i32, %arg1: i32, %arg2: memref<6400x128xi32, #tpu.memory_space<hbm>>, %arg3: memref<100001x128xf32, #tpu.memory_space<hbm>>, %arg4: memref<819200x128xf32, #tpu.memory_space<hbm>>, %arg5: memref<8x128xi32, #tpu.memory_space<vmem>>, %arg6: memref<8x128xi32, #tpu.memory_space<vmem>>, %arg7: memref<256x128xf32, #tpu.memory_space<vmem>>, %arg8: memref<256x128xf32, #tpu.memory_space<vmem>>, %arg9: memref<!tpu.dma_semaphore, #tpu.memory_space<semaphore_mem>>, %arg10: memref<!tpu.dma_semaphore, #tpu.memory_space<semaphore_mem>>, %arg11: memref<!tpu.dma_semaphore, #tpu.memory_space<semaphore_mem>>, %arg12: memref<!tpu.dma_semaphore, #tpu.memory_space<semaphore_mem>>, %arg13: memref<!tpu.dma_semaphore, #tpu.memory_space<semaphore_mem>>) attributes {dimension_semantics = [#tpu.dimension_semantics<core_parallel>, #tpu.dimension_semantics<subcore_parallel>], iteration_bounds = array<i64: 2, 16>, scalar_prefetch = 0 : i64, scratch_operands = 9 : i64, tpu.core_type = #tpu.core_type<sc_vector_subcore>, window_params = [{transform_indices = #map}, {transform_indices = #map}, {transform_indices = #map}]} {
    %mul3A = arith.constant 2 : i32
    %mul3A_0 = arith.muli %arg1, %mul3A : i32
    %add3A = arith.addi %mul3A_0, %arg0 : i32
    %mul3A_1 = arith.constant 25600 : i32
    %mul3A_2 = arith.muli %add3A, %mul3A_1 : i32
    %jit3A = arith.constant 128 : i32
    %div3A = arith.divsi %mul3A_2, %jit3A : i32
    %sign3A = arith.constant 0 : i32
    %sign3A_3 = arith.cmpi sgt, %mul3A_2, %sign3A : i32
    %sign3A_4 = arith.extui %sign3A_3 : i1 to i32
    %sign3A_5 = arith.constant 0 : i32
    %sign3A_6 = arith.cmpi slt, %mul3A_2, %sign3A_5 : i32
    %sign3A_7 = arith.extui %sign3A_6 : i1 to i32
    %sign3A_8 = arith.subi %sign3A_4, %sign3A_7 : i32
    %sign3A_9 = arith.constant 0 : i32
    %sign3A_10 = arith.cmpi sgt, %jit3A, %sign3A_9 : i32
    %sign3A_11 = arith.extui %sign3A_10 : i1 to i32
    %sign3A_12 = arith.constant 0 : i32
    %sign3A_13 = arith.cmpi slt, %jit3A, %sign3A_12 : i32
    %sign3A_14 = arith.extui %sign3A_13 : i1 to i32
    %sign3A_15 = arith.subi %sign3A_11, %sign3A_14 : i32
    %ne3A = arith.cmpi ne, %sign3A_8, %sign3A_15 : i32
    %rem3A = arith.remsi %mul3A_2, %jit3A : i32
    %ne3A_16 = arith.constant 0 : i32
    %ne3A_17 = arith.cmpi ne, %rem3A, %ne3A_16 : i32
    %and3A = arith.andi %ne3A, %ne3A_17 : i1
    %sub3A = arith.constant 1 : i32
    %sub3A_18 = arith.subi %div3A, %sub3A : i32
    %select_n3A = arith.select %and3A, %sub3A_18, %div3A : i32
    %add3A_19 = arith.constant 0 : i32
    %add3A_20 = arith.addi %select_n3A, %add3A_19 : i32
    %multiple_of3A = tpu.assume_multiple %add3A_20, 8 : i32
    %dma_start3A = arith.constant 0 : i32
    %dma_start3A_21 = tpu.memref_slice %arg2[%multiple_of3A, %dma_start3A] : memref<6400x128xi32, #tpu.memory_space<hbm>> -> memref<8x128xi32, #tpu.memory_space<hbm>>
    %dma_start3A_22 = arith.constant 0 : i32
    %dma_start3A_23 = tpu.memref_slice %arg2[%multiple_of3A, %dma_start3A_22] : memref<6400x128xi32, #tpu.memory_space<hbm>> -> memref<8x128xi32, #tpu.memory_space<hbm>>
    tpu.enqueue_dma source(%dma_start3A_23 : memref<8x128xi32, #tpu.memory_space<hbm>>) target(%arg5 : memref<8x128xi32, #tpu.memory_space<vmem>>) target_semaphore(%arg12 : memref<!tpu.dma_semaphore, #tpu.memory_space<semaphore_mem>>)
    %scan3A = arith.constant 0 : i32
    %scan3A_24 = arith.constant 0 : i32
    %scan3A_25 = arith.constant 12 : i32
    %scan3A_26 = arith.addi %scan3A_24, %scan3A_25 : i32
    %scan3A_27 = arith.constant 1 : i32
    scf.for %scan3A_266 = %scan3A_24 to %scan3A_26 step %scan3A_27  : i32 {
      %dma_wait3A_267 = arith.constant 0 : i32
      %dma_wait3A_268 = arith.constant 0 : i32
      %dma_wait3A_269 = tpu.memref_slice %arg2[%dma_wait3A_267, %dma_wait3A_268] : memref<6400x128xi32, #tpu.memory_space<hbm>> -> memref<8x128xi32, #tpu.memory_space<hbm>>
      %dma_wait3A_270 = arith.constant 0 : i32
      %dma_wait3A_271 = arith.constant 0 : i32
      %dma_wait3A_272 = tpu.memref_slice %arg2[%dma_wait3A_270, %dma_wait3A_271] : memref<6400x128xi32, #tpu.memory_space<hbm>> -> memref<8x128xi32, #tpu.memory_space<hbm>>
      tpu.wait_dma2 semaphore(%arg12 : memref<!tpu.dma_semaphore, #tpu.memory_space<semaphore_mem>>) src(%dma_wait3A_272 : memref<8x128xi32, #tpu.memory_space<hbm>>) dst(%arg5 : memref<8x128xi32, #tpu.memory_space<vmem>>)
      %mul3A_273 = arith.constant 2 : i32
      %mul3A_274 = arith.muli %mul3A_273, %scan3A_266 : i32
      %add3A_275 = arith.constant 1 : i32
      %add3A_276 = arith.addi %mul3A_274, %add3A_275 : i32
      %mul3A_277 = arith.constant 8 : i32
      %mul3A_278 = arith.muli %add3A_276, %mul3A_277 : i32
      %add3A_279 = arith.addi %select_n3A, %mul3A_278 : i32
      %multiple_of3A_280 = tpu.assume_multiple %add3A_279, 8 : i32
      %dma_start3A_281 = arith.constant 0 : i32
      %dma_start3A_282 = tpu.memref_slice %arg2[%multiple_of3A_280, %dma_start3A_281] : memref<6400x128xi32, #tpu.memory_space<hbm>> -> memref<8x128xi32, #tpu.memory_space<hbm>>
      %dma_start3A_283 = arith.constant 0 : i32
      %dma_start3A_284 = tpu.memref_slice %arg2[%multiple_of3A_280, %dma_start3A_283] : memref<6400x128xi32, #tpu.memory_space<hbm>> -> memref<8x128xi32, #tpu.memory_space<hbm>>
      tpu.enqueue_dma source(%dma_start3A_284 : memref<8x128xi32, #tpu.memory_space<hbm>>) target(%arg6 : memref<8x128xi32, #tpu.memory_space<vmem>>) target_semaphore(%arg13 : memref<!tpu.dma_semaphore, #tpu.memory_space<semaphore_mem>>)
      %mul3A_285 = arith.constant 2 : i32
      %mul3A_286 = arith.muli %mul3A_285, %scan3A_266 : i32
      %ge3A = arith.constant 1 : i32
      %ge3A_287 = arith.cmpi sge, %scan3A_266, %ge3A : i32
      %convert_element_type3A = arith.extui %ge3A_287 : i1 to i32
      %cond3A = arith.constant 0 : i32
      %cond3A_288 = arith.cmpi ne, %convert_element_type3A, %cond3A : i32
      scf.if %cond3A_288 {
        %dma_wait3A_750 = arith.constant 0 : i32
        %dma_wait3A_751 = arith.constant 0 : i32
        %dma_wait3A_752 = tpu.memref_slice %arg4[%dma_wait3A_750, %dma_wait3A_751] : memref<819200x128xf32, #tpu.memory_space<hbm>> -> memref<256x128xf32, #tpu.memory_space<hbm>>
        %dma_wait3A_753 = arith.constant 0 : i32
        %dma_wait3A_754 = arith.constant 0 : i32
        %dma_wait3A_755 = tpu.memref_slice %arg4[%dma_wait3A_753, %dma_wait3A_754] : memref<819200x128xf32, #tpu.memory_space<hbm>> -> memref<256x128xf32, #tpu.memory_space<hbm>>
        tpu.wait_dma2 semaphore(%arg10 : memref<!tpu.dma_semaphore, #tpu.memory_space<semaphore_mem>>) src(%arg7 : memref<256x128xf32, #tpu.memory_space<vmem>>) dst(%dma_wait3A_755 : memref<256x128xf32, #tpu.memory_space<hbm>>)
      } else {
      }
      %dma_start3A_289 = arith.constant 0 : i32
      %dma_start3A_290 = arith.constant 0 : i32
      %dma_start3A_291 = arith.constant 0 : i32
      %dma_start3A_292 = tpu.memref_slice %arg7[%dma_start3A_290, %dma_start3A_291] : memref<256x128xf32, #tpu.memory_space<vmem>> -> memref<128x128xf32, #tpu.memory_space<vmem>>
      %dma_start3A_293 = arith.constant 0 : i32
      %dma_start3A_294 = tpu.memref_slice %arg5[%dma_start3A_289, %dma_start3A_293] : memref<8x128xi32, #tpu.memory_space<vmem>> -> memref<1x128xi32, #tpu.memory_space<vmem>>
      %dma_start3A_295 = tpu.memref_squeeze %dma_start3A_294 : memref<1x128xi32, #tpu.memory_space<vmem>> -> memref<128xi32, #tpu.memory_space<vmem>>
      %dma_start3A_296 = arith.constant 0 : i32
      %dma_start3A_297 = arith.constant 0 : i32
      %dma_start3A_298 = tpu.memref_slice %arg3[%dma_start3A_296, %dma_start3A_297] : memref<100001x128xf32, #tpu.memory_space<hbm>> -> memref<100001x128xf32, #tpu.memory_space<hbm>>
      tpu.enqueue_indirect_dma source(%dma_start3A_298 : memref<100001x128xf32, #tpu.memory_space<hbm>>) target(%dma_start3A_292 : memref<128x128xf32, #tpu.memory_space<vmem>>) offsets(%dma_start3A_295 : memref<128xi32, #tpu.memory_space<vmem>>) semaphore(%arg9 : memref<!tpu.dma_semaphore, #tpu.memory_space<semaphore_mem>>)
      %dma_start3A_299 = arith.constant 1 : i32
      %dma_start3A_300 = arith.constant 128 : i32
      %dma_start3A_301 = arith.constant 0 : i32
      %dma_start3A_302 = tpu.memref_slice %arg7[%dma_start3A_300, %dma_start3A_301] : memref<256x128xf32, #tpu.memory_space<vmem>> -> memref<128x128xf32, #tpu.memory_space<vmem>>
      %dma_start3A_303 = arith.constant 0 : i32
      %dma_start3A_304 = tpu.memref_slice %arg5[%dma_start3A_299, %dma_start3A_303] : memref<8x128xi32, #tpu.memory_space<vmem>> -> memref<1x128xi32, #tpu.memory_space<vmem>>
      %dma_start3A_305 = tpu.memref_squeeze %dma_start3A_304 : memref<1x128xi32, #tpu.memory_space<vmem>> -> memref<128xi32, #tpu.memory_space<vmem>>
      %dma_start3A_306 = arith.constant 0 : i32
      %dma_start3A_307 = arith.constant 0 : i32
      %dma_start3A_308 = tpu.memref_slice %arg3[%dma_start3A_306, %dma_start3A_307] : memref<100001x128xf32, #tpu.memory_space<hbm>> -> memref<100001x128xf32, #tpu.memory_space<hbm>>
      tpu.enqueue_indirect_dma source(%dma_start3A_308 : memref<100001x128xf32, #tpu.memory_space<hbm>>) target(%dma_start3A_302 : memref<128x128xf32, #tpu.memory_space<vmem>>) offsets(%dma_start3A_305 : memref<128xi32, #tpu.memory_space<vmem>>) semaphore(%arg9 : memref<!tpu.dma_semaphore, #tpu.memory_space<semaphore_mem>>)
      %dma_wait3A_309 = arith.constant 0 : i32
      %dma_wait3A_310 = arith.constant 0 : i32
      %dma_wait3A_311 = arith.constant 0 : i32
      %dma_wait3A_312 = tpu.memref_slice %arg7[%dma_wait3A_310, %dma_wait3A_311] : memref<256x128xf32, #tpu.memory_space<vmem>> -> memref<128x128xf32, #tpu.memory_space<vmem>>
      %dma_wait3A_313 = arith.constant 0 : i32
      %dma_wait3A_314 = tpu.memref_slice %arg5[%dma_wait3A_309, %dma_wait3A_313] : memref<8x128xi32, #tpu.memory_space<vmem>> -> memref<1x128xi32, #tpu.memory_space<vmem>>
      %dma_wait3A_315 = tpu.memref_squeeze %dma_wait3A_314 : memref<1x128xi32, #tpu.memory_space<vmem>> -> memref<128xi32, #tpu.memory_space<vmem>>
      %dma_wait3A_316 = arith.constant 0 : i32
      %dma_wait3A_317 = arith.constant 0 : i32
      %dma_wait3A_318 = tpu.memref_slice %arg3[%dma_wait3A_316, %dma_wait3A_317] : memref<100001x128xf32, #tpu.memory_space<hbm>> -> memref<100001x128xf32, #tpu.memory_space<hbm>>
      tpu.wait_indirect_dma semaphore(%arg9 : memref<!tpu.dma_semaphore, #tpu.memory_space<semaphore_mem>>) src(%dma_wait3A_318 : memref<100001x128xf32, #tpu.memory_space<hbm>>) dst(%dma_wait3A_312 : memref<128x128xf32, #tpu.memory_space<vmem>>)
      %dma_wait3A_319 = arith.constant 1 : i32
      %dma_wait3A_320 = arith.constant 128 : i32
      %dma_wait3A_321 = arith.constant 0 : i32
      %dma_wait3A_322 = tpu.memref_slice %arg7[%dma_wait3A_320, %dma_wait3A_321] : memref<256x128xf32, #tpu.memory_space<vmem>> -> memref<128x128xf32, #tpu.memory_space<vmem>>
      %dma_wait3A_323 = arith.constant 0 : i32
      %dma_wait3A_324 = tpu.memref_slice %arg5[%dma_wait3A_319, %dma_wait3A_323] : memref<8x128xi32, #tpu.memory_space<vmem>> -> memref<1x128xi32, #tpu.memory_space<vmem>>
      %dma_wait3A_325 = tpu.memref_squeeze %dma_wait3A_324 : memref<1x128xi32, #tpu.memory_space<vmem>> -> memref<128xi32, #tpu.memory_space<vmem>>
      %dma_wait3A_326 = arith.constant 0 : i32
      %dma_wait3A_327 = arith.constant 0 : i32
      %dma_wait3A_328 = tpu.memref_slice %arg3[%dma_wait3A_326, %dma_wait3A_327] : memref<100001x128xf32, #tpu.memory_space<hbm>> -> memref<100001x128xf32, #tpu.memory_space<hbm>>
      tpu.wait_indirect_dma semaphore(%arg9 : memref<!tpu.dma_semaphore, #tpu.memory_space<semaphore_mem>>) src(%dma_wait3A_328 : memref<100001x128xf32, #tpu.memory_space<hbm>>) dst(%dma_wait3A_322 : memref<128x128xf32, #tpu.memory_space<vmem>>)
      %mul3A_329 = arith.constant 1024 : i32
      %mul3A_330 = arith.muli %mul3A_286, %mul3A_329 : i32
      %add3A_331 = arith.addi %mul3A_2, %mul3A_330 : i32
      %add3A_332 = arith.constant 0 : i32
      %add3A_333 = arith.addi %add3A_331, %add3A_332 : i32
      %multiple_of3A_334 = tpu.assume_multiple %add3A_333, 256 : i32
      %dma_start3A_335 = arith.constant 0 : i32
      %dma_start3A_336 = tpu.memref_slice %arg4[%multiple_of3A_334, %dma_start3A_335] : memref<819200x128xf32, #tpu.memory_space<hbm>> -> memref<256x128xf32, #tpu.memory_space<hbm>>
      %dma_start3A_337 = arith.constant 0 : i32
      %dma_start3A_338 = tpu.memref_slice %arg4[%multiple_of3A_334, %dma_start3A_337] : memref<819200x128xf32, #tpu.memory_space<hbm>> -> memref<256x128xf32, #tpu.memory_space<hbm>>
      tpu.enqueue_dma source(%arg7 : memref<256x128xf32, #tpu.memory_space<vmem>>) target(%dma_start3A_338 : memref<256x128xf32, #tpu.memory_space<hbm>>) target_semaphore(%arg10 : memref<!tpu.dma_semaphore, #tpu.memory_space<semaphore_mem>>)
      %convert_element_type3A_339 = arith.extui %ge3A_287 : i1 to i32
      %cond3A_340 = arith.constant 0 : i32
      %cond3A_341 = arith.cmpi ne, %convert_element_type3A_339, %cond3A_340 : i32
      scf.if %cond3A_341 {
        %dma_wait3A_750 = arith.constant 0 : i32
        %dma_wait3A_751 = arith.constant 0 : i32
        %dma_wait3A_752 = tpu.memref_slice %arg4[%dma_wait3A_750, %dma_wait3A_751] : memref<819200x128xf32, #tpu.memory_space<hbm>> -> memref<256x128xf32, #tpu.memory_space<hbm>>
        %dma_wait3A_753 = arith.constant 0 : i32
        %dma_wait3A_754 = arith.constant 0 : i32
        %dma_wait3A_755 = tpu.memref_slice %arg4[%dma_wait3A_753, %dma_wait3A_754] : memref<819200x128xf32, #tpu.memory_space<hbm>> -> memref<256x128xf32, #tpu.memory_space<hbm>>
        tpu.wait_dma2 semaphore(%arg11 : memref<!tpu.dma_semaphore, #tpu.memory_space<semaphore_mem>>) src(%arg7 : memref<256x128xf32, #tpu.memory_space<vmem>>) dst(%dma_wait3A_755 : memref<256x128xf32, #tpu.memory_space<hbm>>)
      } else {
      }
      %dma_start3A_342 = arith.constant 2 : i32
      %dma_start3A_343 = arith.constant 0 : i32
      %dma_start3A_344 = arith.constant 0 : i32
      %dma_start3A_345 = tpu.memref_slice %arg8[%dma_start3A_343, %dma_start3A_344] : memref<256x128xf32, #tpu.memory_space<vmem>> -> memref<128x128xf32, #tpu.memory_space<vmem>>
      %dma_start3A_346 = arith.constant 0 : i32
      %dma_start3A_347 = tpu.memref_slice %arg5[%dma_start3A_342, %dma_start3A_346] : memref<8x128xi32, #tpu.memory_space<vmem>> -> memref<1x128xi32, #tpu.memory_space<vmem>>
      %dma_start3A_348 = tpu.memref_squeeze %dma_start3A_347 : memref<1x128xi32, #tpu.memory_space<vmem>> -> memref<128xi32, #tpu.memory_space<vmem>>
      %dma_start3A_349 = arith.constant 0 : i32
      %dma_start3A_350 = arith.constant 0 : i32
      %dma_start3A_351 = tpu.memref_slice %arg3[%dma_start3A_349, %dma_start3A_350] : memref<100001x128xf32, #tpu.memory_space<hbm>> -> memref<100001x128xf32, #tpu.memory_space<hbm>>
      tpu.enqueue_indirect_dma source(%dma_start3A_351 : memref<100001x128xf32, #tpu.memory_space<hbm>>) target(%dma_start3A_345 : memref<128x128xf32, #tpu.memory_space<vmem>>) offsets(%dma_start3A_348 : memref<128xi32, #tpu.memory_space<vmem>>) semaphore(%arg9 : memref<!tpu.dma_semaphore, #tpu.memory_space<semaphore_mem>>)
      %dma_start3A_352 = arith.constant 3 : i32
      %dma_start3A_353 = arith.constant 128 : i32
      %dma_start3A_354 = arith.constant 0 : i32
      %dma_start3A_355 = tpu.memref_slice %arg8[%dma_start3A_353, %dma_start3A_354] : memref<256x128xf32, #tpu.memory_space<vmem>> -> memref<128x128xf32, #tpu.memory_space<vmem>>
      %dma_start3A_356 = arith.constant 0 : i32
      %dma_start3A_357 = tpu.memref_slice %arg5[%dma_start3A_352, %dma_start3A_356] : memref<8x128xi32, #tpu.memory_space<vmem>> -> memref<1x128xi32, #tpu.memory_space<vmem>>
      %dma_start3A_358 = tpu.memref_squeeze %dma_start3A_357 : memref<1x128xi32, #tpu.memory_space<vmem>> -> memref<128xi32, #tpu.memory_space<vmem>>
      %dma_start3A_359 = arith.constant 0 : i32
      %dma_start3A_360 = arith.constant 0 : i32
      %dma_start3A_361 = tpu.memref_slice %arg3[%dma_start3A_359, %dma_start3A_360] : memref<100001x128xf32, #tpu.memory_space<hbm>> -> memref<100001x128xf32, #tpu.memory_space<hbm>>
      tpu.enqueue_indirect_dma source(%dma_start3A_361 : memref<100001x128xf32, #tpu.memory_space<hbm>>) target(%dma_start3A_355 : memref<128x128xf32, #tpu.memory_space<vmem>>) offsets(%dma_start3A_358 : memref<128xi32, #tpu.memory_space<vmem>>) semaphore(%arg9 : memref<!tpu.dma_semaphore, #tpu.memory_space<semaphore_mem>>)
      %dma_wait3A_362 = arith.constant 2 : i32
      %dma_wait3A_363 = arith.constant 0 : i32
      %dma_wait3A_364 = arith.constant 0 : i32
      %dma_wait3A_365 = tpu.memref_slice %arg8[%dma_wait3A_363, %dma_wait3A_364] : memref<256x128xf32, #tpu.memory_space<vmem>> -> memref<128x128xf32, #tpu.memory_space<vmem>>
      %dma_wait3A_366 = arith.constant 0 : i32
      %dma_wait3A_367 = tpu.memref_slice %arg5[%dma_wait3A_362, %dma_wait3A_366] : memref<8x128xi32, #tpu.memory_space<vmem>> -> memref<1x128xi32, #tpu.memory_space<vmem>>
      %dma_wait3A_368 = tpu.memref_squeeze %dma_wait3A_367 : memref<1x128xi32, #tpu.memory_space<vmem>> -> memref<128xi32, #tpu.memory_space<vmem>>
      %dma_wait3A_369 = arith.constant 0 : i32
      %dma_wait3A_370 = arith.constant 0 : i32
      %dma_wait3A_371 = tpu.memref_slice %arg3[%dma_wait3A_369, %dma_wait3A_370] : memref<100001x128xf32, #tpu.memory_space<hbm>> -> memref<100001x128xf32, #tpu.memory_space<hbm>>
      tpu.wait_indirect_dma semaphore(%arg9 : memref<!tpu.dma_semaphore, #tpu.memory_space<semaphore_mem>>) src(%dma_wait3A_371 : memref<100001x128xf32, #tpu.memory_space<hbm>>) dst(%dma_wait3A_365 : memref<128x128xf32, #tpu.memory_space<vmem>>)
      %dma_wait3A_372 = arith.constant 3 : i32
      %dma_wait3A_373 = arith.constant 128 : i32
      %dma_wait3A_374 = arith.constant 0 : i32
      %dma_wait3A_375 = tpu.memref_slice %arg8[%dma_wait3A_373, %dma_wait3A_374] : memref<256x128xf32, #tpu.memory_space<vmem>> -> memref<128x128xf32, #tpu.memory_space<vmem>>
      %dma_wait3A_376 = arith.constant 0 : i32
      %dma_wait3A_377 = tpu.memref_slice %arg5[%dma_wait3A_372, %dma_wait3A_376] : memref<8x128xi32, #tpu.memory_space<vmem>> -> memref<1x128xi32, #tpu.memory_space<vmem>>
      %dma_wait3A_378 = tpu.memref_squeeze %dma_wait3A_377 : memref<1x128xi32, #tpu.memory_space<vmem>> -> memref<128xi32, #tpu.memory_space<vmem>>
      %dma_wait3A_379 = arith.constant 0 : i32
      %dma_wait3A_380 = arith.constant 0 : i32
      %dma_wait3A_381 = tpu.memref_slice %arg3[%dma_wait3A_379, %dma_wait3A_380] : memref<100001x128xf32, #tpu.memory_space<hbm>> -> memref<100001x128xf32, #tpu.memory_space<hbm>>
      tpu.wait_indirect_dma semaphore(%arg9 : memref<!tpu.dma_semaphore, #tpu.memory_space<semaphore_mem>>) src(%dma_wait3A_381 : memref<100001x128xf32, #tpu.memory_space<hbm>>) dst(%dma_wait3A_375 : memref<128x128xf32, #tpu.memory_space<vmem>>)
      %mul3A_382 = arith.constant 1024 : i32
      %mul3A_383 = arith.muli %mul3A_286, %mul3A_382 : i32
      %add3A_384 = arith.addi %mul3A_2, %mul3A_383 : i32
      %add3A_385 = arith.constant 256 : i32
      %add3A_386 = arith.addi %add3A_384, %add3A_385 : i32
      %multiple_of3A_387 = tpu.assume_multiple %add3A_386, 256 : i32
      %dma_start3A_388 = arith.constant 0 : i32
      %dma_start3A_389 = tpu.memref_slice %arg4[%multiple_of3A_387, %dma_start3A_388] : memref<819200x128xf32, #tpu.memory_space<hbm>> -> memref<256x128xf32, #tpu.memory_space<hbm>>
      %dma_start3A_390 = arith.constant 0 : i32
      %dma_start3A_391 = tpu.memref_slice %arg4[%multiple_of3A_387, %dma_start3A_390] : memref<819200x128xf32, #tpu.memory_space<hbm>> -> memref<256x128xf32, #tpu.memory_space<hbm>>
      tpu.enqueue_dma source(%arg8 : memref<256x128xf32, #tpu.memory_space<vmem>>) target(%dma_start3A_391 : memref<256x128xf32, #tpu.memory_space<hbm>>) target_semaphore(%arg11 : memref<!tpu.dma_semaphore, #tpu.memory_space<semaphore_mem>>)
      %dma_wait3A_392 = arith.constant 0 : i32
      %dma_wait3A_393 = arith.constant 0 : i32
      %dma_wait3A_394 = tpu.memref_slice %arg4[%dma_wait3A_392, %dma_wait3A_393] : memref<819200x128xf32, #tpu.memory_space<hbm>> -> memref<256x128xf32, #tpu.memory_space<hbm>>
      %dma_wait3A_395 = arith.constant 0 : i32
      %dma_wait3A_396 = arith.constant 0 : i32
      %dma_wait3A_397 = tpu.memref_slice %arg4[%dma_wait3A_395, %dma_wait3A_396] : memref<819200x128xf32, #tpu.memory_space<hbm>> -> memref<256x128xf32, #tpu.memory_space<hbm>>
      tpu.wait_dma2 semaphore(%arg10 : memref<!tpu.dma_semaphore, #tpu.memory_space<semaphore_mem>>) src(%arg7 : memref<256x128xf32, #tpu.memory_space<vmem>>) dst(%dma_wait3A_397 : memref<256x128xf32, #tpu.memory_space<hbm>>)
      %dma_start3A_398 = arith.constant 4 : i32
      %dma_start3A_399 = arith.constant 0 : i32
      %dma_start3A_400 = arith.constant 0 : i32
      %dma_start3A_401 = tpu.memref_slice %arg7[%dma_start3A_399, %dma_start3A_400] : memref<256x128xf32, #tpu.memory_space<vmem>> -> memref<128x128xf32, #tpu.memory_space<vmem>>
      %dma_start3A_402 = arith.constant 0 : i32
      %dma_start3A_403 = tpu.memref_slice %arg5[%dma_start3A_398, %dma_start3A_402] : memref<8x128xi32, #tpu.memory_space<vmem>> -> memref<1x128xi32, #tpu.memory_space<vmem>>
      %dma_start3A_404 = tpu.memref_squeeze %dma_start3A_403 : memref<1x128xi32, #tpu.memory_space<vmem>> -> memref<128xi32, #tpu.memory_space<vmem>>
      %dma_start3A_405 = arith.constant 0 : i32
      %dma_start3A_406 = arith.constant 0 : i32
      %dma_start3A_407 = tpu.memref_slice %arg3[%dma_start3A_405, %dma_start3A_406] : memref<100001x128xf32, #tpu.memory_space<hbm>> -> memref<100001x128xf32, #tpu.memory_space<hbm>>
      tpu.enqueue_indirect_dma source(%dma_start3A_407 : memref<100001x128xf32, #tpu.memory_space<hbm>>) target(%dma_start3A_401 : memref<128x128xf32, #tpu.memory_space<vmem>>) offsets(%dma_start3A_404 : memref<128xi32, #tpu.memory_space<vmem>>) semaphore(%arg9 : memref<!tpu.dma_semaphore, #tpu.memory_space<semaphore_mem>>)
      %dma_start3A_408 = arith.constant 5 : i32
      %dma_start3A_409 = arith.constant 128 : i32
      %dma_start3A_410 = arith.constant 0 : i32
      %dma_start3A_411 = tpu.memref_slice %arg7[%dma_start3A_409, %dma_start3A_410] : memref<256x128xf32, #tpu.memory_space<vmem>> -> memref<128x128xf32, #tpu.memory_space<vmem>>
      %dma_start3A_412 = arith.constant 0 : i32
      %dma_start3A_413 = tpu.memref_slice %arg5[%dma_start3A_408, %dma_start3A_412] : memref<8x128xi32, #tpu.memory_space<vmem>> -> memref<1x128xi32, #tpu.memory_space<vmem>>
      %dma_start3A_414 = tpu.memref_squeeze %dma_start3A_413 : memref<1x128xi32, #tpu.memory_space<vmem>> -> memref<128xi32, #tpu.memory_space<vmem>>
      %dma_start3A_415 = arith.constant 0 : i32
      %dma_start3A_416 = arith.constant 0 : i32
      %dma_start3A_417 = tpu.memref_slice %arg3[%dma_start3A_415, %dma_start3A_416] : memref<100001x128xf32, #tpu.memory_space<hbm>> -> memref<100001x128xf32, #tpu.memory_space<hbm>>
      tpu.enqueue_indirect_dma source(%dma_start3A_417 : memref<100001x128xf32, #tpu.memory_space<hbm>>) target(%dma_start3A_411 : memref<128x128xf32, #tpu.memory_space<vmem>>) offsets(%dma_start3A_414 : memref<128xi32, #tpu.memory_space<vmem>>) semaphore(%arg9 : memref<!tpu.dma_semaphore, #tpu.memory_space<semaphore_mem>>)
      %dma_wait3A_418 = arith.constant 4 : i32
      %dma_wait3A_419 = arith.constant 0 : i32
      %dma_wait3A_420 = arith.constant 0 : i32
      %dma_wait3A_421 = tpu.memref_slice %arg7[%dma_wait3A_419, %dma_wait3A_420] : memref<256x128xf32, #tpu.memory_space<vmem>> -> memref<128x128xf32, #tpu.memory_space<vmem>>
      %dma_wait3A_422 = arith.constant 0 : i32
      %dma_wait3A_423 = tpu.memref_slice %arg5[%dma_wait3A_418, %dma_wait3A_422] : memref<8x128xi32, #tpu.memory_space<vmem>> -> memref<1x128xi32, #tpu.memory_space<vmem>>
      %dma_wait3A_424 = tpu.memref_squeeze %dma_wait3A_423 : memref<1x128xi32, #tpu.memory_space<vmem>> -> memref<128xi32, #tpu.memory_space<vmem>>
      %dma_wait3A_425 = arith.constant 0 : i32
      %dma_wait3A_426 = arith.constant 0 : i32
      %dma_wait3A_427 = tpu.memref_slice %arg3[%dma_wait3A_425, %dma_wait3A_426] : memref<100001x128xf32, #tpu.memory_space<hbm>> -> memref<100001x128xf32, #tpu.memory_space<hbm>>
      tpu.wait_indirect_dma semaphore(%arg9 : memref<!tpu.dma_semaphore, #tpu.memory_space<semaphore_mem>>) src(%dma_wait3A_427 : memref<100001x128xf32, #tpu.memory_space<hbm>>) dst(%dma_wait3A_421 : memref<128x128xf32, #tpu.memory_space<vmem>>)
      %dma_wait3A_428 = arith.constant 5 : i32
      %dma_wait3A_429 = arith.constant 128 : i32
      %dma_wait3A_430 = arith.constant 0 : i32
      %dma_wait3A_431 = tpu.memref_slice %arg7[%dma_wait3A_429, %dma_wait3A_430] : memref<256x128xf32, #tpu.memory_space<vmem>> -> memref<128x128xf32, #tpu.memory_space<vmem>>
      %dma_wait3A_432 = arith.constant 0 : i32
      %dma_wait3A_433 = tpu.memref_slice %arg5[%dma_wait3A_428, %dma_wait3A_432] : memref<8x128xi32, #tpu.memory_space<vmem>> -> memref<1x128xi32, #tpu.memory_space<vmem>>
      %dma_wait3A_434 = tpu.memref_squeeze %dma_wait3A_433 : memref<1x128xi32, #tpu.memory_space<vmem>> -> memref<128xi32, #tpu.memory_space<vmem>>
      %dma_wait3A_435 = arith.constant 0 : i32
      %dma_wait3A_436 = arith.constant 0 : i32
      %dma_wait3A_437 = tpu.memref_slice %arg3[%dma_wait3A_435, %dma_wait3A_436] : memref<100001x128xf32, #tpu.memory_space<hbm>> -> memref<100001x128xf32, #tpu.memory_space<hbm>>
      tpu.wait_indirect_dma semaphore(%arg9 : memref<!tpu.dma_semaphore, #tpu.memory_space<semaphore_mem>>) src(%dma_wait3A_437 : memref<100001x128xf32, #tpu.memory_space<hbm>>) dst(%dma_wait3A_431 : memref<128x128xf32, #tpu.memory_space<vmem>>)
      %mul3A_438 = arith.constant 1024 : i32
      %mul3A_439 = arith.muli %mul3A_286, %mul3A_438 : i32
      %add3A_440 = arith.addi %mul3A_2, %mul3A_439 : i32
      %add3A_441 = arith.constant 512 : i32
      %add3A_442 = arith.addi %add3A_440, %add3A_441 : i32
      %multiple_of3A_443 = tpu.assume_multiple %add3A_442, 256 : i32
      %dma_start3A_444 = arith.constant 0 : i32
      %dma_start3A_445 = tpu.memref_slice %arg4[%multiple_of3A_443, %dma_start3A_444] : memref<819200x128xf32, #tpu.memory_space<hbm>> -> memref<256x128xf32, #tpu.memory_space<hbm>>
      %dma_start3A_446 = arith.constant 0 : i32
      %dma_start3A_447 = tpu.memref_slice %arg4[%multiple_of3A_443, %dma_start3A_446] : memref<819200x128xf32, #tpu.memory_space<hbm>> -> memref<256x128xf32, #tpu.memory_space<hbm>>
      tpu.enqueue_dma source(%arg7 : memref<256x128xf32, #tpu.memory_space<vmem>>) target(%dma_start3A_447 : memref<256x128xf32, #tpu.memory_space<hbm>>) target_semaphore(%arg10 : memref<!tpu.dma_semaphore, #tpu.memory_space<semaphore_mem>>)
      %dma_wait3A_448 = arith.constant 0 : i32
      %dma_wait3A_449 = arith.constant 0 : i32
      %dma_wait3A_450 = tpu.memref_slice %arg4[%dma_wait3A_448, %dma_wait3A_449] : memref<819200x128xf32, #tpu.memory_space<hbm>> -> memref<256x128xf32, #tpu.memory_space<hbm>>
      %dma_wait3A_451 = arith.constant 0 : i32
      %dma_wait3A_452 = arith.constant 0 : i32
      %dma_wait3A_453 = tpu.memref_slice %arg4[%dma_wait3A_451, %dma_wait3A_452] : memref<819200x128xf32, #tpu.memory_space<hbm>> -> memref<256x128xf32, #tpu.memory_space<hbm>>
      tpu.wait_dma2 semaphore(%arg11 : memref<!tpu.dma_semaphore, #tpu.memory_space<semaphore_mem>>) src(%arg7 : memref<256x128xf32, #tpu.memory_space<vmem>>) dst(%dma_wait3A_453 : memref<256x128xf32, #tpu.memory_space<hbm>>)
      %dma_start3A_454 = arith.constant 6 : i32
      %dma_start3A_455 = arith.constant 0 : i32
      %dma_start3A_456 = arith.constant 0 : i32
      %dma_start3A_457 = tpu.memref_slice %arg8[%dma_start3A_455, %dma_start3A_456] : memref<256x128xf32, #tpu.memory_space<vmem>> -> memref<128x128xf32, #tpu.memory_space<vmem>>
      %dma_start3A_458 = arith.constant 0 : i32
      %dma_start3A_459 = tpu.memref_slice %arg5[%dma_start3A_454, %dma_start3A_458] : memref<8x128xi32, #tpu.memory_space<vmem>> -> memref<1x128xi32, #tpu.memory_space<vmem>>
      %dma_start3A_460 = tpu.memref_squeeze %dma_start3A_459 : memref<1x128xi32, #tpu.memory_space<vmem>> -> memref<128xi32, #tpu.memory_space<vmem>>
      %dma_start3A_461 = arith.constant 0 : i32
      %dma_start3A_462 = arith.constant 0 : i32
      %dma_start3A_463 = tpu.memref_slice %arg3[%dma_start3A_461, %dma_start3A_462] : memref<100001x128xf32, #tpu.memory_space<hbm>> -> memref<100001x128xf32, #tpu.memory_space<hbm>>
      tpu.enqueue_indirect_dma source(%dma_start3A_463 : memref<100001x128xf32, #tpu.memory_space<hbm>>) target(%dma_start3A_457 : memref<128x128xf32, #tpu.memory_space<vmem>>) offsets(%dma_start3A_460 : memref<128xi32, #tpu.memory_space<vmem>>) semaphore(%arg9 : memref<!tpu.dma_semaphore, #tpu.memory_space<semaphore_mem>>)
      %dma_start3A_464 = arith.constant 7 : i32
      %dma_start3A_465 = arith.constant 128 : i32
      %dma_start3A_466 = arith.constant 0 : i32
      %dma_start3A_467 = tpu.memref_slice %arg8[%dma_start3A_465, %dma_start3A_466] : memref<256x128xf32, #tpu.memory_space<vmem>> -> memref<128x128xf32, #tpu.memory_space<vmem>>
      %dma_start3A_468 = arith.constant 0 : i32
      %dma_start3A_469 = tpu.memref_slice %arg5[%dma_start3A_464, %dma_start3A_468] : memref<8x128xi32, #tpu.memory_space<vmem>> -> memref<1x128xi32, #tpu.memory_space<vmem>>
      %dma_start3A_470 = tpu.memref_squeeze %dma_start3A_469 : memref<1x128xi32, #tpu.memory_space<vmem>> -> memref<128xi32, #tpu.memory_space<vmem>>
      %dma_start3A_471 = arith.constant 0 : i32
      %dma_start3A_472 = arith.constant 0 : i32
      %dma_start3A_473 = tpu.memref_slice %arg3[%dma_start3A_471, %dma_start3A_472] : memref<100001x128xf32, #tpu.memory_space<hbm>> -> memref<100001x128xf32, #tpu.memory_space<hbm>>
      tpu.enqueue_indirect_dma source(%dma_start3A_473 : memref<100001x128xf32, #tpu.memory_space<hbm>>) target(%dma_start3A_467 : memref<128x128xf32, #tpu.memory_space<vmem>>) offsets(%dma_start3A_470 : memref<128xi32, #tpu.memory_space<vmem>>) semaphore(%arg9 : memref<!tpu.dma_semaphore, #tpu.memory_space<semaphore_mem>>)
      %dma_wait3A_474 = arith.constant 6 : i32
      %dma_wait3A_475 = arith.constant 0 : i32
      %dma_wait3A_476 = arith.constant 0 : i32
      %dma_wait3A_477 = tpu.memref_slice %arg8[%dma_wait3A_475, %dma_wait3A_476] : memref<256x128xf32, #tpu.memory_space<vmem>> -> memref<128x128xf32, #tpu.memory_space<vmem>>
      %dma_wait3A_478 = arith.constant 0 : i32
      %dma_wait3A_479 = tpu.memref_slice %arg5[%dma_wait3A_474, %dma_wait3A_478] : memref<8x128xi32, #tpu.memory_space<vmem>> -> memref<1x128xi32, #tpu.memory_space<vmem>>
      %dma_wait3A_480 = tpu.memref_squeeze %dma_wait3A_479 : memref<1x128xi32, #tpu.memory_space<vmem>> -> memref<128xi32, #tpu.memory_space<vmem>>
      %dma_wait3A_481 = arith.constant 0 : i32
      %dma_wait3A_482 = arith.constant 0 : i32
      %dma_wait3A_483 = tpu.memref_slice %arg3[%dma_wait3A_481, %dma_wait3A_482] : memref<100001x128xf32, #tpu.memory_space<hbm>> -> memref<100001x128xf32, #tpu.memory_space<hbm>>
      tpu.wait_indirect_dma semaphore(%arg9 : memref<!tpu.dma_semaphore, #tpu.memory_space<semaphore_mem>>) src(%dma_wait3A_483 : memref<100001x128xf32, #tpu.memory_space<hbm>>) dst(%dma_wait3A_477 : memref<128x128xf32, #tpu.memory_space<vmem>>)
      %dma_wait3A_484 = arith.constant 7 : i32
      %dma_wait3A_485 = arith.constant 128 : i32
      %dma_wait3A_486 = arith.constant 0 : i32
      %dma_wait3A_487 = tpu.memref_slice %arg8[%dma_wait3A_485, %dma_wait3A_486] : memref<256x128xf32, #tpu.memory_space<vmem>> -> memref<128x128xf32, #tpu.memory_space<vmem>>
      %dma_wait3A_488 = arith.constant 0 : i32
      %dma_wait3A_489 = tpu.memref_slice %arg5[%dma_wait3A_484, %dma_wait3A_488] : memref<8x128xi32, #tpu.memory_space<vmem>> -> memref<1x128xi32, #tpu.memory_space<vmem>>
      %dma_wait3A_490 = tpu.memref_squeeze %dma_wait3A_489 : memref<1x128xi32, #tpu.memory_space<vmem>> -> memref<128xi32, #tpu.memory_space<vmem>>
      %dma_wait3A_491 = arith.constant 0 : i32
      %dma_wait3A_492 = arith.constant 0 : i32
      %dma_wait3A_493 = tpu.memref_slice %arg3[%dma_wait3A_491, %dma_wait3A_492] : memref<100001x128xf32, #tpu.memory_space<hbm>> -> memref<100001x128xf32, #tpu.memory_space<hbm>>
      tpu.wait_indirect_dma semaphore(%arg9 : memref<!tpu.dma_semaphore, #tpu.memory_space<semaphore_mem>>) src(%dma_wait3A_493 : memref<100001x128xf32, #tpu.memory_space<hbm>>) dst(%dma_wait3A_487 : memref<128x128xf32, #tpu.memory_space<vmem>>)
      %mul3A_494 = arith.constant 1024 : i32
      %mul3A_495 = arith.muli %mul3A_286, %mul3A_494 : i32
      %add3A_496 = arith.addi %mul3A_2, %mul3A_495 : i32
      %add3A_497 = arith.constant 768 : i32
      %add3A_498 = arith.addi %add3A_496, %add3A_497 : i32
      %multiple_of3A_499 = tpu.assume_multiple %add3A_498, 256 : i32
      %dma_start3A_500 = arith.constant 0 : i32
      %dma_start3A_501 = tpu.memref_slice %arg4[%multiple_of3A_499, %dma_start3A_500] : memref<819200x128xf32, #tpu.memory_space<hbm>> -> memref<256x128xf32, #tpu.memory_space<hbm>>
      %dma_start3A_502 = arith.constant 0 : i32
      %dma_start3A_503 = tpu.memref_slice %arg4[%multiple_of3A_499, %dma_start3A_502] : memref<819200x128xf32, #tpu.memory_space<hbm>> -> memref<256x128xf32, #tpu.memory_space<hbm>>
      tpu.enqueue_dma source(%arg8 : memref<256x128xf32, #tpu.memory_space<vmem>>) target(%dma_start3A_503 : memref<256x128xf32, #tpu.memory_space<hbm>>) target_semaphore(%arg11 : memref<!tpu.dma_semaphore, #tpu.memory_space<semaphore_mem>>)
      %dma_wait3A_504 = arith.constant 0 : i32
      %dma_wait3A_505 = arith.constant 0 : i32
      %dma_wait3A_506 = tpu.memref_slice %arg2[%dma_wait3A_504, %dma_wait3A_505] : memref<6400x128xi32, #tpu.memory_space<hbm>> -> memref<8x128xi32, #tpu.memory_space<hbm>>
      %dma_wait3A_507 = arith.constant 0 : i32
      %dma_wait3A_508 = arith.constant 0 : i32
      %dma_wait3A_509 = tpu.memref_slice %arg2[%dma_wait3A_507, %dma_wait3A_508] : memref<6400x128xi32, #tpu.memory_space<hbm>> -> memref<8x128xi32, #tpu.memory_space<hbm>>
      tpu.wait_dma2 semaphore(%arg13 : memref<!tpu.dma_semaphore, #tpu.memory_space<semaphore_mem>>) src(%dma_wait3A_509 : memref<8x128xi32, #tpu.memory_space<hbm>>) dst(%arg6 : memref<8x128xi32, #tpu.memory_space<vmem>>)
      %mul3A_510 = arith.constant 2 : i32
      %mul3A_511 = arith.muli %mul3A_510, %scan3A_266 : i32
      %add3A_512 = arith.constant 2 : i32
      %add3A_513 = arith.addi %mul3A_511, %add3A_512 : i32
      %mul3A_514 = arith.constant 8 : i32
      %mul3A_515 = arith.muli %add3A_513, %mul3A_514 : i32
      %add3A_516 = arith.addi %select_n3A, %mul3A_515 : i32
      %multiple_of3A_517 = tpu.assume_multiple %add3A_516, 8 : i32
      %dma_start3A_518 = arith.constant 0 : i32
      %dma_start3A_519 = tpu.memref_slice %arg2[%multiple_of3A_517, %dma_start3A_518] : memref<6400x128xi32, #tpu.memory_space<hbm>> -> memref<8x128xi32, #tpu.memory_space<hbm>>
      %dma_start3A_520 = arith.constant 0 : i32
      %dma_start3A_521 = tpu.memref_slice %arg2[%multiple_of3A_517, %dma_start3A_520] : memref<6400x128xi32, #tpu.memory_space<hbm>> -> memref<8x128xi32, #tpu.memory_space<hbm>>
      tpu.enqueue_dma source(%dma_start3A_521 : memref<8x128xi32, #tpu.memory_space<hbm>>) target(%arg5 : memref<8x128xi32, #tpu.memory_space<vmem>>) target_semaphore(%arg12 : memref<!tpu.dma_semaphore, #tpu.memory_space<semaphore_mem>>)
      %mul3A_522 = arith.constant 2 : i32
      %mul3A_523 = arith.muli %mul3A_522, %scan3A_266 : i32
      %add3A_524 = arith.constant 1 : i32
      %add3A_525 = arith.addi %mul3A_523, %add3A_524 : i32
      %dma_wait3A_526 = arith.constant 0 : i32
      %dma_wait3A_527 = arith.constant 0 : i32
      %dma_wait3A_528 = tpu.memref_slice %arg4[%dma_wait3A_526, %dma_wait3A_527] : memref<819200x128xf32, #tpu.memory_space<hbm>> -> memref<256x128xf32, #tpu.memory_space<hbm>>
      %dma_wait3A_529 = arith.constant 0 : i32
      %dma_wait3A_530 = arith.constant 0 : i32
      %dma_wait3A_531 = tpu.memref_slice %arg4[%dma_wait3A_529, %dma_wait3A_530] : memref<819200x128xf32, #tpu.memory_space<hbm>> -> memref<256x128xf32, #tpu.memory_space<hbm>>
      tpu.wait_dma2 semaphore(%arg10 : memref<!tpu.dma_semaphore, #tpu.memory_space<semaphore_mem>>) src(%arg7 : memref<256x128xf32, #tpu.memory_space<vmem>>) dst(%dma_wait3A_531 : memref<256x128xf32, #tpu.memory_space<hbm>>)
      %dma_start3A_532 = arith.constant 0 : i32
      %dma_start3A_533 = arith.constant 0 : i32
      %dma_start3A_534 = arith.constant 0 : i32
      %dma_start3A_535 = tpu.memref_slice %arg7[%dma_start3A_533, %dma_start3A_534] : memref<256x128xf32, #tpu.memory_space<vmem>> -> memref<128x128xf32, #tpu.memory_space<vmem>>
      %dma_start3A_536 = arith.constant 0 : i32
      %dma_start3A_537 = tpu.memref_slice %arg6[%dma_start3A_532, %dma_start3A_536] : memref<8x128xi32, #tpu.memory_space<vmem>> -> memref<1x128xi32, #tpu.memory_space<vmem>>
      %dma_start3A_538 = tpu.memref_squeeze %dma_start3A_537 : memref<1x128xi32, #tpu.memory_space<vmem>> -> memref<128xi32, #tpu.memory_space<vmem>>
      %dma_start3A_539 = arith.constant 0 : i32
      %dma_start3A_540 = arith.constant 0 : i32
      %dma_start3A_541 = tpu.memref_slice %arg3[%dma_start3A_539, %dma_start3A_540] : memref<100001x128xf32, #tpu.memory_space<hbm>> -> memref<100001x128xf32, #tpu.memory_space<hbm>>
      tpu.enqueue_indirect_dma source(%dma_start3A_541 : memref<100001x128xf32, #tpu.memory_space<hbm>>) target(%dma_start3A_535 : memref<128x128xf32, #tpu.memory_space<vmem>>) offsets(%dma_start3A_538 : memref<128xi32, #tpu.memory_space<vmem>>) semaphore(%arg9 : memref<!tpu.dma_semaphore, #tpu.memory_space<semaphore_mem>>)
      %dma_start3A_542 = arith.constant 1 : i32
      %dma_start3A_543 = arith.constant 128 : i32
      %dma_start3A_544 = arith.constant 0 : i32
      %dma_start3A_545 = tpu.memref_slice %arg7[%dma_start3A_543, %dma_start3A_544] : memref<256x128xf32, #tpu.memory_space<vmem>> -> memref<128x128xf32, #tpu.memory_space<vmem>>
      %dma_start3A_546 = arith.constant 0 : i32
      %dma_start3A_547 = tpu.memref_slice %arg6[%dma_start3A_542, %dma_start3A_546] : memref<8x128xi32, #tpu.memory_space<vmem>> -> memref<1x128xi32, #tpu.memory_space<vmem>>
      %dma_start3A_548 = tpu.memref_squeeze %dma_start3A_547 : memref<1x128xi32, #tpu.memory_space<vmem>> -> memref<128xi32, #tpu.memory_space<vmem>>
      %dma_start3A_549 = arith.constant 0 : i32
      %dma_start3A_550 = arith.constant 0 : i32
      %dma_start3A_551 = tpu.memref_slice %arg3[%dma_start3A_549, %dma_start3A_550] : memref<100001x128xf32, #tpu.memory_space<hbm>> -> memref<100001x128xf32, #tpu.memory_space<hbm>>
      tpu.enqueue_indirect_dma source(%dma_start3A_551 : memref<100001x128xf32, #tpu.memory_space<hbm>>) target(%dma_start3A_545 : memref<128x128xf32, #tpu.memory_space<vmem>>) offsets(%dma_start3A_548 : memref<128xi32, #tpu.memory_space<vmem>>) semaphore(%arg9 : memref<!tpu.dma_semaphore, #tpu.memory_space<semaphore_mem>>)
      %dma_wait3A_552 = arith.constant 0 : i32
      %dma_wait3A_553 = arith.constant 0 : i32
      %dma_wait3A_554 = arith.constant 0 : i32
      %dma_wait3A_555 = tpu.memref_slice %arg7[%dma_wait3A_553, %dma_wait3A_554] : memref<256x128xf32, #tpu.memory_space<vmem>> -> memref<128x128xf32, #tpu.memory_space<vmem>>
      %dma_wait3A_556 = arith.constant 0 : i32
      %dma_wait3A_557 = tpu.memref_slice %arg6[%dma_wait3A_552, %dma_wait3A_556] : memref<8x128xi32, #tpu.memory_space<vmem>> -> memref<1x128xi32, #tpu.memory_space<vmem>>
      %dma_wait3A_558 = tpu.memref_squeeze %dma_wait3A_557 : memref<1x128xi32, #tpu.memory_space<vmem>> -> memref<128xi32, #tpu.memory_space<vmem>>
      %dma_wait3A_559 = arith.constant 0 : i32
      %dma_wait3A_560 = arith.constant 0 : i32
      %dma_wait3A_561 = tpu.memref_slice %arg3[%dma_wait3A_559, %dma_wait3A_560] : memref<100001x128xf32, #tpu.memory_space<hbm>> -> memref<100001x128xf32, #tpu.memory_space<hbm>>
      tpu.wait_indirect_dma semaphore(%arg9 : memref<!tpu.dma_semaphore, #tpu.memory_space<semaphore_mem>>) src(%dma_wait3A_561 : memref<100001x128xf32, #tpu.memory_space<hbm>>) dst(%dma_wait3A_555 : memref<128x128xf32, #tpu.memory_space<vmem>>)
      %dma_wait3A_562 = arith.constant 1 : i32
      %dma_wait3A_563 = arith.constant 128 : i32
      %dma_wait3A_564 = arith.constant 0 : i32
      %dma_wait3A_565 = tpu.memref_slice %arg7[%dma_wait3A_563, %dma_wait3A_564] : memref<256x128xf32, #tpu.memory_space<vmem>> -> memref<128x128xf32, #tpu.memory_space<vmem>>
      %dma_wait3A_566 = arith.constant 0 : i32
      %dma_wait3A_567 = tpu.memref_slice %arg6[%dma_wait3A_562, %dma_wait3A_566] : memref<8x128xi32, #tpu.memory_space<vmem>> -> memref<1x128xi32, #tpu.memory_space<vmem>>
      %dma_wait3A_568 = tpu.memref_squeeze %dma_wait3A_567 : memref<1x128xi32, #tpu.memory_space<vmem>> -> memref<128xi32, #tpu.memory_space<vmem>>
      %dma_wait3A_569 = arith.constant 0 : i32
      %dma_wait3A_570 = arith.constant 0 : i32
      %dma_wait3A_571 = tpu.memref_slice %arg3[%dma_wait3A_569, %dma_wait3A_570] : memref<100001x128xf32, #tpu.memory_space<hbm>> -> memref<100001x128xf32, #tpu.memory_space<hbm>>
      tpu.wait_indirect_dma semaphore(%arg9 : memref<!tpu.dma_semaphore, #tpu.memory_space<semaphore_mem>>) src(%dma_wait3A_571 : memref<100001x128xf32, #tpu.memory_space<hbm>>) dst(%dma_wait3A_565 : memref<128x128xf32, #tpu.memory_space<vmem>>)
      %mul3A_572 = arith.constant 1024 : i32
      %mul3A_573 = arith.muli %add3A_525, %mul3A_572 : i32
      %add3A_574 = arith.addi %mul3A_2, %mul3A_573 : i32
      %add3A_575 = arith.constant 0 : i32
      %add3A_576 = arith.addi %add3A_574, %add3A_575 : i32
      %multiple_of3A_577 = tpu.assume_multiple %add3A_576, 256 : i32
      %dma_start3A_578 = arith.constant 0 : i32
      %dma_start3A_579 = tpu.memref_slice %arg4[%multiple_of3A_577, %dma_start3A_578] : memref<819200x128xf32, #tpu.memory_space<hbm>> -> memref<256x128xf32, #tpu.memory_space<hbm>>
      %dma_start3A_580 = arith.constant 0 : i32
      %dma_start3A_581 = tpu.memref_slice %arg4[%multiple_of3A_577, %dma_start3A_580] : memref<819200x128xf32, #tpu.memory_space<hbm>> -> memref<256x128xf32, #tpu.memory_space<hbm>>
      tpu.enqueue_dma source(%arg7 : memref<256x128xf32, #tpu.memory_space<vmem>>) target(%dma_start3A_581 : memref<256x128xf32, #tpu.memory_space<hbm>>) target_semaphore(%arg10 : memref<!tpu.dma_semaphore, #tpu.memory_space<semaphore_mem>>)
      %dma_wait3A_582 = arith.constant 0 : i32
      %dma_wait3A_583 = arith.constant 0 : i32
      %dma_wait3A_584 = tpu.memref_slice %arg4[%dma_wait3A_582, %dma_wait3A_583] : memref<819200x128xf32, #tpu.memory_space<hbm>> -> memref<256x128xf32, #tpu.memory_space<hbm>>
      %dma_wait3A_585 = arith.constant 0 : i32
      %dma_wait3A_586 = arith.constant 0 : i32
      %dma_wait3A_587 = tpu.memref_slice %arg4[%dma_wait3A_585, %dma_wait3A_586] : memref<819200x128xf32, #tpu.memory_space<hbm>> -> memref<256x128xf32, #tpu.memory_space<hbm>>
      tpu.wait_dma2 semaphore(%arg11 : memref<!tpu.dma_semaphore, #tpu.memory_space<semaphore_mem>>) src(%arg7 : memref<256x128xf32, #tpu.memory_space<vmem>>) dst(%dma_wait3A_587 : memref<256x128xf32, #tpu.memory_space<hbm>>)
      %dma_start3A_588 = arith.constant 2 : i32
      %dma_start3A_589 = arith.constant 0 : i32
      %dma_start3A_590 = arith.constant 0 : i32
      %dma_start3A_591 = tpu.memref_slice %arg8[%dma_start3A_589, %dma_start3A_590] : memref<256x128xf32, #tpu.memory_space<vmem>> -> memref<128x128xf32, #tpu.memory_space<vmem>>
      %dma_start3A_592 = arith.constant 0 : i32
      %dma_start3A_593 = tpu.memref_slice %arg6[%dma_start3A_588, %dma_start3A_592] : memref<8x128xi32, #tpu.memory_space<vmem>> -> memref<1x128xi32, #tpu.memory_space<vmem>>
      %dma_start3A_594 = tpu.memref_squeeze %dma_start3A_593 : memref<1x128xi32, #tpu.memory_space<vmem>> -> memref<128xi32, #tpu.memory_space<vmem>>
      %dma_start3A_595 = arith.constant 0 : i32
      %dma_start3A_596 = arith.constant 0 : i32
      %dma_start3A_597 = tpu.memref_slice %arg3[%dma_start3A_595, %dma_start3A_596] : memref<100001x128xf32, #tpu.memory_space<hbm>> -> memref<100001x128xf32, #tpu.memory_space<hbm>>
      tpu.enqueue_indirect_dma source(%dma_start3A_597 : memref<100001x128xf32, #tpu.memory_space<hbm>>) target(%dma_start3A_591 : memref<128x128xf32, #tpu.memory_space<vmem>>) offsets(%dma_start3A_594 : memref<128xi32, #tpu.memory_space<vmem>>) semaphore(%arg9 : memref<!tpu.dma_semaphore, #tpu.memory_space<semaphore_mem>>)
      %dma_start3A_598 = arith.constant 3 : i32
      %dma_start3A_599 = arith.constant 128 : i32
      %dma_start3A_600 = arith.constant 0 : i32
      %dma_start3A_601 = tpu.memref_slice %arg8[%dma_start3A_599, %dma_start3A_600] : memref<256x128xf32, #tpu.memory_space<vmem>> -> memref<128x128xf32, #tpu.memory_space<vmem>>
      %dma_start3A_602 = arith.constant 0 : i32
      %dma_start3A_603 = tpu.memref_slice %arg6[%dma_start3A_598, %dma_start3A_602] : memref<8x128xi32, #tpu.memory_space<vmem>> -> memref<1x128xi32, #tpu.memory_space<vmem>>
      %dma_start3A_604 = tpu.memref_squeeze %dma_start3A_603 : memref<1x128xi32, #tpu.memory_space<vmem>> -> memref<128xi32, #tpu.memory_space<vmem>>
      %dma_start3A_605 = arith.constant 0 : i32
      %dma_start3A_606 = arith.constant 0 : i32
      %dma_start3A_607 = tpu.memref_slice %arg3[%dma_start3A_605, %dma_start3A_606] : memref<100001x128xf32, #tpu.memory_space<hbm>> -> memref<100001x128xf32, #tpu.memory_space<hbm>>
      tpu.enqueue_indirect_dma source(%dma_start3A_607 : memref<100001x128xf32, #tpu.memory_space<hbm>>) target(%dma_start3A_601 : memref<128x128xf32, #tpu.memory_space<vmem>>) offsets(%dma_start3A_604 : memref<128xi32, #tpu.memory_space<vmem>>) semaphore(%arg9 : memref<!tpu.dma_semaphore, #tpu.memory_space<semaphore_mem>>)
      %dma_wait3A_608 = arith.constant 2 : i32
      %dma_wait3A_609 = arith.constant 0 : i32
      %dma_wait3A_610 = arith.constant 0 : i32
      %dma_wait3A_611 = tpu.memref_slice %arg8[%dma_wait3A_609, %dma_wait3A_610] : memref<256x128xf32, #tpu.memory_space<vmem>> -> memref<128x128xf32, #tpu.memory_space<vmem>>
      %dma_wait3A_612 = arith.constant 0 : i32
      %dma_wait3A_613 = tpu.memref_slice %arg6[%dma_wait3A_608, %dma_wait3A_612] : memref<8x128xi32, #tpu.memory_space<vmem>> -> memref<1x128xi32, #tpu.memory_space<vmem>>
      %dma_wait3A_614 = tpu.memref_squeeze %dma_wait3A_613 : memref<1x128xi32, #tpu.memory_space<vmem>> -> memref<128xi32, #tpu.memory_space<vmem>>
      %dma_wait3A_615 = arith.constant 0 : i32
      %dma_wait3A_616 = arith.constant 0 : i32
      %dma_wait3A_617 = tpu.memref_slice %arg3[%dma_wait3A_615, %dma_wait3A_616] : memref<100001x128xf32, #tpu.memory_space<hbm>> -> memref<100001x128xf32, #tpu.memory_space<hbm>>
      tpu.wait_indirect_dma semaphore(%arg9 : memref<!tpu.dma_semaphore, #tpu.memory_space<semaphore_mem>>) src(%dma_wait3A_617 : memref<100001x128xf32, #tpu.memory_space<hbm>>) dst(%dma_wait3A_611 : memref<128x128xf32, #tpu.memory_space<vmem>>)
      %dma_wait3A_618 = arith.constant 3 : i32
      %dma_wait3A_619 = arith.constant 128 : i32
      %dma_wait3A_620 = arith.constant 0 : i32
      %dma_wait3A_621 = tpu.memref_slice %arg8[%dma_wait3A_619, %dma_wait3A_620] : memref<256x128xf32, #tpu.memory_space<vmem>> -> memref<128x128xf32, #tpu.memory_space<vmem>>
      %dma_wait3A_622 = arith.constant 0 : i32
      %dma_wait3A_623 = tpu.memref_slice %arg6[%dma_wait3A_618, %dma_wait3A_622] : memref<8x128xi32, #tpu.memory_space<vmem>> -> memref<1x128xi32, #tpu.memory_space<vmem>>
      %dma_wait3A_624 = tpu.memref_squeeze %dma_wait3A_623 : memref<1x128xi32, #tpu.memory_space<vmem>> -> memref<128xi32, #tpu.memory_space<vmem>>
      %dma_wait3A_625 = arith.constant 0 : i32
      %dma_wait3A_626 = arith.constant 0 : i32
      %dma_wait3A_627 = tpu.memref_slice %arg3[%dma_wait3A_625, %dma_wait3A_626] : memref<100001x128xf32, #tpu.memory_space<hbm>> -> memref<100001x128xf32, #tpu.memory_space<hbm>>
      tpu.wait_indirect_dma semaphore(%arg9 : memref<!tpu.dma_semaphore, #tpu.memory_space<semaphore_mem>>) src(%dma_wait3A_627 : memref<100001x128xf32, #tpu.memory_space<hbm>>) dst(%dma_wait3A_621 : memref<128x128xf32, #tpu.memory_space<vmem>>)
      %mul3A_628 = arith.constant 1024 : i32
      %mul3A_629 = arith.muli %add3A_525, %mul3A_628 : i32
      %add3A_630 = arith.addi %mul3A_2, %mul3A_629 : i32
      %add3A_631 = arith.constant 256 : i32
      %add3A_632 = arith.addi %add3A_630, %add3A_631 : i32
      %multiple_of3A_633 = tpu.assume_multiple %add3A_632, 256 : i32
      %dma_start3A_634 = arith.constant 0 : i32
      %dma_start3A_635 = tpu.memref_slice %arg4[%multiple_of3A_633, %dma_start3A_634] : memref<819200x128xf32, #tpu.memory_space<hbm>> -> memref<256x128xf32, #tpu.memory_space<hbm>>
      %dma_start3A_636 = arith.constant 0 : i32
      %dma_start3A_637 = tpu.memref_slice %arg4[%multiple_of3A_633, %dma_start3A_636] : memref<819200x128xf32, #tpu.memory_space<hbm>> -> memref<256x128xf32, #tpu.memory_space<hbm>>
      tpu.enqueue_dma source(%arg8 : memref<256x128xf32, #tpu.memory_space<vmem>>) target(%dma_start3A_637 : memref<256x128xf32, #tpu.memory_space<hbm>>) target_semaphore(%arg11 : memref<!tpu.dma_semaphore, #tpu.memory_space<semaphore_mem>>)
      %dma_wait3A_638 = arith.constant 0 : i32
      %dma_wait3A_639 = arith.constant 0 : i32
      %dma_wait3A_640 = tpu.memref_slice %arg4[%dma_wait3A_638, %dma_wait3A_639] : memref<819200x128xf32, #tpu.memory_space<hbm>> -> memref<256x128xf32, #tpu.memory_space<hbm>>
      %dma_wait3A_641 = arith.constant 0 : i32
      %dma_wait3A_642 = arith.constant 0 : i32
      %dma_wait3A_643 = tpu.memref_slice %arg4[%dma_wait3A_641, %dma_wait3A_642] : memref<819200x128xf32, #tpu.memory_space<hbm>> -> memref<256x128xf32, #tpu.memory_space<hbm>>
      tpu.wait_dma2 semaphore(%arg10 : memref<!tpu.dma_semaphore, #tpu.memory_space<semaphore_mem>>) src(%arg7 : memref<256x128xf32, #tpu.memory_space<vmem>>) dst(%dma_wait3A_643 : memref<256x128xf32, #tpu.memory_space<hbm>>)
      %dma_start3A_644 = arith.constant 4 : i32
      %dma_start3A_645 = arith.constant 0 : i32
      %dma_start3A_646 = arith.constant 0 : i32
      %dma_start3A_647 = tpu.memref_slice %arg7[%dma_start3A_645, %dma_start3A_646] : memref<256x128xf32, #tpu.memory_space<vmem>> -> memref<128x128xf32, #tpu.memory_space<vmem>>
      %dma_start3A_648 = arith.constant 0 : i32
      %dma_start3A_649 = tpu.memref_slice %arg6[%dma_start3A_644, %dma_start3A_648] : memref<8x128xi32, #tpu.memory_space<vmem>> -> memref<1x128xi32, #tpu.memory_space<vmem>>
      %dma_start3A_650 = tpu.memref_squeeze %dma_start3A_649 : memref<1x128xi32, #tpu.memory_space<vmem>> -> memref<128xi32, #tpu.memory_space<vmem>>
      %dma_start3A_651 = arith.constant 0 : i32
      %dma_start3A_652 = arith.constant 0 : i32
      %dma_start3A_653 = tpu.memref_slice %arg3[%dma_start3A_651, %dma_start3A_652] : memref<100001x128xf32, #tpu.memory_space<hbm>> -> memref<100001x128xf32, #tpu.memory_space<hbm>>
      tpu.enqueue_indirect_dma source(%dma_start3A_653 : memref<100001x128xf32, #tpu.memory_space<hbm>>) target(%dma_start3A_647 : memref<128x128xf32, #tpu.memory_space<vmem>>) offsets(%dma_start3A_650 : memref<128xi32, #tpu.memory_space<vmem>>) semaphore(%arg9 : memref<!tpu.dma_semaphore, #tpu.memory_space<semaphore_mem>>)
      %dma_start3A_654 = arith.constant 5 : i32
      %dma_start3A_655 = arith.constant 128 : i32
      %dma_start3A_656 = arith.constant 0 : i32
      %dma_start3A_657 = tpu.memref_slice %arg7[%dma_start3A_655, %dma_start3A_656] : memref<256x128xf32, #tpu.memory_space<vmem>> -> memref<128x128xf32, #tpu.memory_space<vmem>>
      %dma_start3A_658 = arith.constant 0 : i32
      %dma_start3A_659 = tpu.memref_slice %arg6[%dma_start3A_654, %dma_start3A_658] : memref<8x128xi32, #tpu.memory_space<vmem>> -> memref<1x128xi32, #tpu.memory_space<vmem>>
      %dma_start3A_660 = tpu.memref_squeeze %dma_start3A_659 : memref<1x128xi32, #tpu.memory_space<vmem>> -> memref<128xi32, #tpu.memory_space<vmem>>
      %dma_start3A_661 = arith.constant 0 : i32
      %dma_start3A_662 = arith.constant 0 : i32
      %dma_start3A_663 = tpu.memref_slice %arg3[%dma_start3A_661, %dma_start3A_662] : memref<100001x128xf32, #tpu.memory_space<hbm>> -> memref<100001x128xf32, #tpu.memory_space<hbm>>
      tpu.enqueue_indirect_dma source(%dma_start3A_663 : memref<100001x128xf32, #tpu.memory_space<hbm>>) target(%dma_start3A_657 : memref<128x128xf32, #tpu.memory_space<vmem>>) offsets(%dma_start3A_660 : memref<128xi32, #tpu.memory_space<vmem>>) semaphore(%arg9 : memref<!tpu.dma_semaphore, #tpu.memory_space<semaphore_mem>>)
      %dma_wait3A_664 = arith.constant 4 : i32
      %dma_wait3A_665 = arith.constant 0 : i32
      %dma_wait3A_666 = arith.constant 0 : i32
      %dma_wait3A_667 = tpu.memref_slice %arg7[%dma_wait3A_665, %dma_wait3A_666] : memref<256x128xf32, #tpu.memory_space<vmem>> -> memref<128x128xf32, #tpu.memory_space<vmem>>
      %dma_wait3A_668 = arith.constant 0 : i32
      %dma_wait3A_669 = tpu.memref_slice %arg6[%dma_wait3A_664, %dma_wait3A_668] : memref<8x128xi32, #tpu.memory_space<vmem>> -> memref<1x128xi32, #tpu.memory_space<vmem>>
      %dma_wait3A_670 = tpu.memref_squeeze %dma_wait3A_669 : memref<1x128xi32, #tpu.memory_space<vmem>> -> memref<128xi32, #tpu.memory_space<vmem>>
      %dma_wait3A_671 = arith.constant 0 : i32
      %dma_wait3A_672 = arith.constant 0 : i32
      %dma_wait3A_673 = tpu.memref_slice %arg3[%dma_wait3A_671, %dma_wait3A_672] : memref<100001x128xf32, #tpu.memory_space<hbm>> -> memref<100001x128xf32, #tpu.memory_space<hbm>>
      tpu.wait_indirect_dma semaphore(%arg9 : memref<!tpu.dma_semaphore, #tpu.memory_space<semaphore_mem>>) src(%dma_wait3A_673 : memref<100001x128xf32, #tpu.memory_space<hbm>>) dst(%dma_wait3A_667 : memref<128x128xf32, #tpu.memory_space<vmem>>)
      %dma_wait3A_674 = arith.constant 5 : i32
      %dma_wait3A_675 = arith.constant 128 : i32
      %dma_wait3A_676 = arith.constant 0 : i32
      %dma_wait3A_677 = tpu.memref_slice %arg7[%dma_wait3A_675, %dma_wait3A_676] : memref<256x128xf32, #tpu.memory_space<vmem>> -> memref<128x128xf32, #tpu.memory_space<vmem>>
      %dma_wait3A_678 = arith.constant 0 : i32
      %dma_wait3A_679 = tpu.memref_slice %arg6[%dma_wait3A_674, %dma_wait3A_678] : memref<8x128xi32, #tpu.memory_space<vmem>> -> memref<1x128xi32, #tpu.memory_space<vmem>>
      %dma_wait3A_680 = tpu.memref_squeeze %dma_wait3A_679 : memref<1x128xi32, #tpu.memory_space<vmem>> -> memref<128xi32, #tpu.memory_space<vmem>>
      %dma_wait3A_681 = arith.constant 0 : i32
      %dma_wait3A_682 = arith.constant 0 : i32
      %dma_wait3A_683 = tpu.memref_slice %arg3[%dma_wait3A_681, %dma_wait3A_682] : memref<100001x128xf32, #tpu.memory_space<hbm>> -> memref<100001x128xf32, #tpu.memory_space<hbm>>
      tpu.wait_indirect_dma semaphore(%arg9 : memref<!tpu.dma_semaphore, #tpu.memory_space<semaphore_mem>>) src(%dma_wait3A_683 : memref<100001x128xf32, #tpu.memory_space<hbm>>) dst(%dma_wait3A_677 : memref<128x128xf32, #tpu.memory_space<vmem>>)
      %mul3A_684 = arith.constant 1024 : i32
      %mul3A_685 = arith.muli %add3A_525, %mul3A_684 : i32
      %add3A_686 = arith.addi %mul3A_2, %mul3A_685 : i32
      %add3A_687 = arith.constant 512 : i32
      %add3A_688 = arith.addi %add3A_686, %add3A_687 : i32
      %multiple_of3A_689 = tpu.assume_multiple %add3A_688, 256 : i32
      %dma_start3A_690 = arith.constant 0 : i32
      %dma_start3A_691 = tpu.memref_slice %arg4[%multiple_of3A_689, %dma_start3A_690] : memref<819200x128xf32, #tpu.memory_space<hbm>> -> memref<256x128xf32, #tpu.memory_space<hbm>>
      %dma_start3A_692 = arith.constant 0 : i32
      %dma_start3A_693 = tpu.memref_slice %arg4[%multiple_of3A_689, %dma_start3A_692] : memref<819200x128xf32, #tpu.memory_space<hbm>> -> memref<256x128xf32, #tpu.memory_space<hbm>>
      tpu.enqueue_dma source(%arg7 : memref<256x128xf32, #tpu.memory_space<vmem>>) target(%dma_start3A_693 : memref<256x128xf32, #tpu.memory_space<hbm>>) target_semaphore(%arg10 : memref<!tpu.dma_semaphore, #tpu.memory_space<semaphore_mem>>)
      %dma_wait3A_694 = arith.constant 0 : i32
      %dma_wait3A_695 = arith.constant 0 : i32
      %dma_wait3A_696 = tpu.memref_slice %arg4[%dma_wait3A_694, %dma_wait3A_695] : memref<819200x128xf32, #tpu.memory_space<hbm>> -> memref<256x128xf32, #tpu.memory_space<hbm>>
      %dma_wait3A_697 = arith.constant 0 : i32
      %dma_wait3A_698 = arith.constant 0 : i32
      %dma_wait3A_699 = tpu.memref_slice %arg4[%dma_wait3A_697, %dma_wait3A_698] : memref<819200x128xf32, #tpu.memory_space<hbm>> -> memref<256x128xf32, #tpu.memory_space<hbm>>
      tpu.wait_dma2 semaphore(%arg11 : memref<!tpu.dma_semaphore, #tpu.memory_space<semaphore_mem>>) src(%arg7 : memref<256x128xf32, #tpu.memory_space<vmem>>) dst(%dma_wait3A_699 : memref<256x128xf32, #tpu.memory_space<hbm>>)
      %dma_start3A_700 = arith.constant 6 : i32
      %dma_start3A_701 = arith.constant 0 : i32
      %dma_start3A_702 = arith.constant 0 : i32
      %dma_start3A_703 = tpu.memref_slice %arg8[%dma_start3A_701, %dma_start3A_702] : memref<256x128xf32, #tpu.memory_space<vmem>> -> memref<128x128xf32, #tpu.memory_space<vmem>>
      %dma_start3A_704 = arith.constant 0 : i32
      %dma_start3A_705 = tpu.memref_slice %arg6[%dma_start3A_700, %dma_start3A_704] : memref<8x128xi32, #tpu.memory_space<vmem>> -> memref<1x128xi32, #tpu.memory_space<vmem>>
      %dma_start3A_706 = tpu.memref_squeeze %dma_start3A_705 : memref<1x128xi32, #tpu.memory_space<vmem>> -> memref<128xi32, #tpu.memory_space<vmem>>
      %dma_start3A_707 = arith.constant 0 : i32
      %dma_start3A_708 = arith.constant 0 : i32
      %dma_start3A_709 = tpu.memref_slice %arg3[%dma_start3A_707, %dma_start3A_708] : memref<100001x128xf32, #tpu.memory_space<hbm>> -> memref<100001x128xf32, #tpu.memory_space<hbm>>
      tpu.enqueue_indirect_dma source(%dma_start3A_709 : memref<100001x128xf32, #tpu.memory_space<hbm>>) target(%dma_start3A_703 : memref<128x128xf32, #tpu.memory_space<vmem>>) offsets(%dma_start3A_706 : memref<128xi32, #tpu.memory_space<vmem>>) semaphore(%arg9 : memref<!tpu.dma_semaphore, #tpu.memory_space<semaphore_mem>>)
      %dma_start3A_710 = arith.constant 7 : i32
      %dma_start3A_711 = arith.constant 128 : i32
      %dma_start3A_712 = arith.constant 0 : i32
      %dma_start3A_713 = tpu.memref_slice %arg8[%dma_start3A_711, %dma_start3A_712] : memref<256x128xf32, #tpu.memory_space<vmem>> -> memref<128x128xf32, #tpu.memory_space<vmem>>
      %dma_start3A_714 = arith.constant 0 : i32
      %dma_start3A_715 = tpu.memref_slice %arg6[%dma_start3A_710, %dma_start3A_714] : memref<8x128xi32, #tpu.memory_space<vmem>> -> memref<1x128xi32, #tpu.memory_space<vmem>>
      %dma_start3A_716 = tpu.memref_squeeze %dma_start3A_715 : memref<1x128xi32, #tpu.memory_space<vmem>> -> memref<128xi32, #tpu.memory_space<vmem>>
      %dma_start3A_717 = arith.constant 0 : i32
      %dma_start3A_718 = arith.constant 0 : i32
      %dma_start3A_719 = tpu.memref_slice %arg3[%dma_start3A_717, %dma_start3A_718] : memref<100001x128xf32, #tpu.memory_space<hbm>> -> memref<100001x128xf32, #tpu.memory_space<hbm>>
      tpu.enqueue_indirect_dma source(%dma_start3A_719 : memref<100001x128xf32, #tpu.memory_space<hbm>>) target(%dma_start3A_713 : memref<128x128xf32, #tpu.memory_space<vmem>>) offsets(%dma_start3A_716 : memref<128xi32, #tpu.memory_space<vmem>>) semaphore(%arg9 : memref<!tpu.dma_semaphore, #tpu.memory_space<semaphore_mem>>)
      %dma_wait3A_720 = arith.constant 6 : i32
      %dma_wait3A_721 = arith.constant 0 : i32
      %dma_wait3A_722 = arith.constant 0 : i32
      %dma_wait3A_723 = tpu.memref_slice %arg8[%dma_wait3A_721, %dma_wait3A_722] : memref<256x128xf32, #tpu.memory_space<vmem>> -> memref<128x128xf32, #tpu.memory_space<vmem>>
      %dma_wait3A_724 = arith.constant 0 : i32
      %dma_wait3A_725 = tpu.memref_slice %arg6[%dma_wait3A_720, %dma_wait3A_724] : memref<8x128xi32, #tpu.memory_space<vmem>> -> memref<1x128xi32, #tpu.memory_space<vmem>>
      %dma_wait3A_726 = tpu.memref_squeeze %dma_wait3A_725 : memref<1x128xi32, #tpu.memory_space<vmem>> -> memref<128xi32, #tpu.memory_space<vmem>>
      %dma_wait3A_727 = arith.constant 0 : i32
      %dma_wait3A_728 = arith.constant 0 : i32
      %dma_wait3A_729 = tpu.memref_slice %arg3[%dma_wait3A_727, %dma_wait3A_728] : memref<100001x128xf32, #tpu.memory_space<hbm>> -> memref<100001x128xf32, #tpu.memory_space<hbm>>
      tpu.wait_indirect_dma semaphore(%arg9 : memref<!tpu.dma_semaphore, #tpu.memory_space<semaphore_mem>>) src(%dma_wait3A_729 : memref<100001x128xf32, #tpu.memory_space<hbm>>) dst(%dma_wait3A_723 : memref<128x128xf32, #tpu.memory_space<vmem>>)
      %dma_wait3A_730 = arith.constant 7 : i32
      %dma_wait3A_731 = arith.constant 128 : i32
      %dma_wait3A_732 = arith.constant 0 : i32
      %dma_wait3A_733 = tpu.memref_slice %arg8[%dma_wait3A_731, %dma_wait3A_732] : memref<256x128xf32, #tpu.memory_space<vmem>> -> memref<128x128xf32, #tpu.memory_space<vmem>>
      %dma_wait3A_734 = arith.constant 0 : i32
      %dma_wait3A_735 = tpu.memref_slice %arg6[%dma_wait3A_730, %dma_wait3A_734] : memref<8x128xi32, #tpu.memory_space<vmem>> -> memref<1x128xi32, #tpu.memory_space<vmem>>
      %dma_wait3A_736 = tpu.memref_squeeze %dma_wait3A_735 : memref<1x128xi32, #tpu.memory_space<vmem>> -> memref<128xi32, #tpu.memory_space<vmem>>
      %dma_wait3A_737 = arith.constant 0 : i32
      %dma_wait3A_738 = arith.constant 0 : i32
      %dma_wait3A_739 = tpu.memref_slice %arg3[%dma_wait3A_737, %dma_wait3A_738] : memref<100001x128xf32, #tpu.memory_space<hbm>> -> memref<100001x128xf32, #tpu.memory_space<hbm>>
      tpu.wait_indirect_dma semaphore(%arg9 : memref<!tpu.dma_semaphore, #tpu.memory_space<semaphore_mem>>) src(%dma_wait3A_739 : memref<100001x128xf32, #tpu.memory_space<hbm>>) dst(%dma_wait3A_733 : memref<128x128xf32, #tpu.memory_space<vmem>>)
      %mul3A_740 = arith.constant 1024 : i32
      %mul3A_741 = arith.muli %add3A_525, %mul3A_740 : i32
      %add3A_742 = arith.addi %mul3A_2, %mul3A_741 : i32
      %add3A_743 = arith.constant 768 : i32
      %add3A_744 = arith.addi %add3A_742, %add3A_743 : i32
      %multiple_of3A_745 = tpu.assume_multiple %add3A_744, 256 : i32
      %dma_start3A_746 = arith.constant 0 : i32
      %dma_start3A_747 = tpu.memref_slice %arg4[%multiple_of3A_745, %dma_start3A_746] : memref<819200x128xf32, #tpu.memory_space<hbm>> -> memref<256x128xf32, #tpu.memory_space<hbm>>
      %dma_start3A_748 = arith.constant 0 : i32
      %dma_start3A_749 = tpu.memref_slice %arg4[%multiple_of3A_745, %dma_start3A_748] : memref<819200x128xf32, #tpu.memory_space<hbm>> -> memref<256x128xf32, #tpu.memory_space<hbm>>
      tpu.enqueue_dma source(%arg8 : memref<256x128xf32, #tpu.memory_space<vmem>>) target(%dma_start3A_749 : memref<256x128xf32, #tpu.memory_space<hbm>>) target_semaphore(%arg11 : memref<!tpu.dma_semaphore, #tpu.memory_space<semaphore_mem>>)
    }
    %scan3A_28 = arith.constant 12 : i32
    %dma_wait3A = arith.constant 0 : i32
    %dma_wait3A_29 = arith.constant 0 : i32
    %dma_wait3A_30 = tpu.memref_slice %arg2[%dma_wait3A, %dma_wait3A_29] : memref<6400x128xi32, #tpu.memory_space<hbm>> -> memref<8x128xi32, #tpu.memory_space<hbm>>
    %dma_wait3A_31 = arith.constant 0 : i32
    %dma_wait3A_32 = arith.constant 0 : i32
    %dma_wait3A_33 = tpu.memref_slice %arg2[%dma_wait3A_31, %dma_wait3A_32] : memref<6400x128xi32, #tpu.memory_space<hbm>> -> memref<8x128xi32, #tpu.memory_space<hbm>>
    tpu.wait_dma2 semaphore(%arg12 : memref<!tpu.dma_semaphore, #tpu.memory_space<semaphore_mem>>) src(%dma_wait3A_33 : memref<8x128xi32, #tpu.memory_space<hbm>>) dst(%arg5 : memref<8x128xi32, #tpu.memory_space<vmem>>)
    %dma_wait3A_34 = arith.constant 0 : i32
    %dma_wait3A_35 = arith.constant 0 : i32
    %dma_wait3A_36 = tpu.memref_slice %arg4[%dma_wait3A_34, %dma_wait3A_35] : memref<819200x128xf32, #tpu.memory_space<hbm>> -> memref<256x128xf32, #tpu.memory_space<hbm>>
    %dma_wait3A_37 = arith.constant 0 : i32
    %dma_wait3A_38 = arith.constant 0 : i32
    %dma_wait3A_39 = tpu.memref_slice %arg4[%dma_wait3A_37, %dma_wait3A_38] : memref<819200x128xf32, #tpu.memory_space<hbm>> -> memref<256x128xf32, #tpu.memory_space<hbm>>
    tpu.wait_dma2 semaphore(%arg10 : memref<!tpu.dma_semaphore, #tpu.memory_space<semaphore_mem>>) src(%arg7 : memref<256x128xf32, #tpu.memory_space<vmem>>) dst(%dma_wait3A_39 : memref<256x128xf32, #tpu.memory_space<hbm>>)
    %dma_start3A_40 = arith.constant 0 : i32
    %dma_start3A_41 = arith.constant 0 : i32
    %dma_start3A_42 = arith.constant 0 : i32
    %dma_start3A_43 = tpu.memref_slice %arg7[%dma_start3A_41, %dma_start3A_42] : memref<256x128xf32, #tpu.memory_space<vmem>> -> memref<128x128xf32, #tpu.memory_space<vmem>>
    %dma_start3A_44 = arith.constant 0 : i32
    %dma_start3A_45 = tpu.memref_slice %arg5[%dma_start3A_40, %dma_start3A_44] : memref<8x128xi32, #tpu.memory_space<vmem>> -> memref<1x128xi32, #tpu.memory_space<vmem>>
    %dma_start3A_46 = tpu.memref_squeeze %dma_start3A_45 : memref<1x128xi32, #tpu.memory_space<vmem>> -> memref<128xi32, #tpu.memory_space<vmem>>
    %dma_start3A_47 = arith.constant 0 : i32
    %dma_start3A_48 = arith.constant 0 : i32
    %dma_start3A_49 = tpu.memref_slice %arg3[%dma_start3A_47, %dma_start3A_48] : memref<100001x128xf32, #tpu.memory_space<hbm>> -> memref<100001x128xf32, #tpu.memory_space<hbm>>
    tpu.enqueue_indirect_dma source(%dma_start3A_49 : memref<100001x128xf32, #tpu.memory_space<hbm>>) target(%dma_start3A_43 : memref<128x128xf32, #tpu.memory_space<vmem>>) offsets(%dma_start3A_46 : memref<128xi32, #tpu.memory_space<vmem>>) semaphore(%arg9 : memref<!tpu.dma_semaphore, #tpu.memory_space<semaphore_mem>>)
    %dma_start3A_50 = arith.constant 1 : i32
    %dma_start3A_51 = arith.constant 128 : i32
    %dma_start3A_52 = arith.constant 0 : i32
    %dma_start3A_53 = tpu.memref_slice %arg7[%dma_start3A_51, %dma_start3A_52] : memref<256x128xf32, #tpu.memory_space<vmem>> -> memref<128x128xf32, #tpu.memory_space<vmem>>
    %dma_start3A_54 = arith.constant 0 : i32
    %dma_start3A_55 = tpu.memref_slice %arg5[%dma_start3A_50, %dma_start3A_54] : memref<8x128xi32, #tpu.memory_space<vmem>> -> memref<1x128xi32, #tpu.memory_space<vmem>>
    %dma_start3A_56 = tpu.memref_squeeze %dma_start3A_55 : memref<1x128xi32, #tpu.memory_space<vmem>> -> memref<128xi32, #tpu.memory_space<vmem>>
    %dma_start3A_57 = arith.constant 0 : i32
    %dma_start3A_58 = arith.constant 0 : i32
    %dma_start3A_59 = tpu.memref_slice %arg3[%dma_start3A_57, %dma_start3A_58] : memref<100001x128xf32, #tpu.memory_space<hbm>> -> memref<100001x128xf32, #tpu.memory_space<hbm>>
    tpu.enqueue_indirect_dma source(%dma_start3A_59 : memref<100001x128xf32, #tpu.memory_space<hbm>>) target(%dma_start3A_53 : memref<128x128xf32, #tpu.memory_space<vmem>>) offsets(%dma_start3A_56 : memref<128xi32, #tpu.memory_space<vmem>>) semaphore(%arg9 : memref<!tpu.dma_semaphore, #tpu.memory_space<semaphore_mem>>)
    %dma_wait3A_60 = arith.constant 0 : i32
    %dma_wait3A_61 = arith.constant 0 : i32
    %dma_wait3A_62 = arith.constant 0 : i32
    %dma_wait3A_63 = tpu.memref_slice %arg7[%dma_wait3A_61, %dma_wait3A_62] : memref<256x128xf32, #tpu.memory_space<vmem>> -> memref<128x128xf32, #tpu.memory_space<vmem>>
    %dma_wait3A_64 = arith.constant 0 : i32
    %dma_wait3A_65 = tpu.memref_slice %arg5[%dma_wait3A_60, %dma_wait3A_64] : memref<8x128xi32, #tpu.memory_space<vmem>> -> memref<1x128xi32, #tpu.memory_space<vmem>>
    %dma_wait3A_66 = tpu.memref_squeeze %dma_wait3A_65 : memref<1x128xi32, #tpu.memory_space<vmem>> -> memref<128xi32, #tpu.memory_space<vmem>>
    %dma_wait3A_67 = arith.constant 0 : i32
    %dma_wait3A_68 = arith.constant 0 : i32
    %dma_wait3A_69 = tpu.memref_slice %arg3[%dma_wait3A_67, %dma_wait3A_68] : memref<100001x128xf32, #tpu.memory_space<hbm>> -> memref<100001x128xf32, #tpu.memory_space<hbm>>
    tpu.wait_indirect_dma semaphore(%arg9 : memref<!tpu.dma_semaphore, #tpu.memory_space<semaphore_mem>>) src(%dma_wait3A_69 : memref<100001x128xf32, #tpu.memory_space<hbm>>) dst(%dma_wait3A_63 : memref<128x128xf32, #tpu.memory_space<vmem>>)
    %dma_wait3A_70 = arith.constant 1 : i32
    %dma_wait3A_71 = arith.constant 128 : i32
    %dma_wait3A_72 = arith.constant 0 : i32
    %dma_wait3A_73 = tpu.memref_slice %arg7[%dma_wait3A_71, %dma_wait3A_72] : memref<256x128xf32, #tpu.memory_space<vmem>> -> memref<128x128xf32, #tpu.memory_space<vmem>>
    %dma_wait3A_74 = arith.constant 0 : i32
    %dma_wait3A_75 = tpu.memref_slice %arg5[%dma_wait3A_70, %dma_wait3A_74] : memref<8x128xi32, #tpu.memory_space<vmem>> -> memref<1x128xi32, #tpu.memory_space<vmem>>
    %dma_wait3A_76 = tpu.memref_squeeze %dma_wait3A_75 : memref<1x128xi32, #tpu.memory_space<vmem>> -> memref<128xi32, #tpu.memory_space<vmem>>
    %dma_wait3A_77 = arith.constant 0 : i32
    %dma_wait3A_78 = arith.constant 0 : i32
    %dma_wait3A_79 = tpu.memref_slice %arg3[%dma_wait3A_77, %dma_wait3A_78] : memref<100001x128xf32, #tpu.memory_space<hbm>> -> memref<100001x128xf32, #tpu.memory_space<hbm>>
    tpu.wait_indirect_dma semaphore(%arg9 : memref<!tpu.dma_semaphore, #tpu.memory_space<semaphore_mem>>) src(%dma_wait3A_79 : memref<100001x128xf32, #tpu.memory_space<hbm>>) dst(%dma_wait3A_73 : memref<128x128xf32, #tpu.memory_space<vmem>>)
    %add3A_80 = arith.constant 24576 : i32
    %add3A_81 = arith.addi %mul3A_2, %add3A_80 : i32
    %add3A_82 = arith.constant 0 : i32
    %add3A_83 = arith.addi %add3A_81, %add3A_82 : i32
    %multiple_of3A_84 = tpu.assume_multiple %add3A_83, 256 : i32
    %dma_start3A_85 = arith.constant 0 : i32
    %dma_start3A_86 = tpu.memref_slice %arg4[%multiple_of3A_84, %dma_start3A_85] : memref<819200x128xf32, #tpu.memory_space<hbm>> -> memref<256x128xf32, #tpu.memory_space<hbm>>
    %dma_start3A_87 = arith.constant 0 : i32
    %dma_start3A_88 = tpu.memref_slice %arg4[%multiple_of3A_84, %dma_start3A_87] : memref<819200x128xf32, #tpu.memory_space<hbm>> -> memref<256x128xf32, #tpu.memory_space<hbm>>
    tpu.enqueue_dma source(%arg7 : memref<256x128xf32, #tpu.memory_space<vmem>>) target(%dma_start3A_88 : memref<256x128xf32, #tpu.memory_space<hbm>>) target_semaphore(%arg10 : memref<!tpu.dma_semaphore, #tpu.memory_space<semaphore_mem>>)
    %dma_wait3A_89 = arith.constant 0 : i32
    %dma_wait3A_90 = arith.constant 0 : i32
    %dma_wait3A_91 = tpu.memref_slice %arg4[%dma_wait3A_89, %dma_wait3A_90] : memref<819200x128xf32, #tpu.memory_space<hbm>> -> memref<256x128xf32, #tpu.memory_space<hbm>>
    %dma_wait3A_92 = arith.constant 0 : i32
    %dma_wait3A_93 = arith.constant 0 : i32
    %dma_wait3A_94 = tpu.memref_slice %arg4[%dma_wait3A_92, %dma_wait3A_93] : memref<819200x128xf32, #tpu.memory_space<hbm>> -> memref<256x128xf32, #tpu.memory_space<hbm>>
    tpu.wait_dma2 semaphore(%arg11 : memref<!tpu.dma_semaphore, #tpu.memory_space<semaphore_mem>>) src(%arg7 : memref<256x128xf32, #tpu.memory_space<vmem>>) dst(%dma_wait3A_94 : memref<256x128xf32, #tpu.memory_space<hbm>>)
    %dma_start3A_95 = arith.constant 2 : i32
    %dma_start3A_96 = arith.constant 0 : i32
    %dma_start3A_97 = arith.constant 0 : i32
    %dma_start3A_98 = tpu.memref_slice %arg8[%dma_start3A_96, %dma_start3A_97] : memref<256x128xf32, #tpu.memory_space<vmem>> -> memref<128x128xf32, #tpu.memory_space<vmem>>
    %dma_start3A_99 = arith.constant 0 : i32
    %dma_start3A_100 = tpu.memref_slice %arg5[%dma_start3A_95, %dma_start3A_99] : memref<8x128xi32, #tpu.memory_space<vmem>> -> memref<1x128xi32, #tpu.memory_space<vmem>>
    %dma_start3A_101 = tpu.memref_squeeze %dma_start3A_100 : memref<1x128xi32, #tpu.memory_space<vmem>> -> memref<128xi32, #tpu.memory_space<vmem>>
    %dma_start3A_102 = arith.constant 0 : i32
    %dma_start3A_103 = arith.constant 0 : i32
    %dma_start3A_104 = tpu.memref_slice %arg3[%dma_start3A_102, %dma_start3A_103] : memref<100001x128xf32, #tpu.memory_space<hbm>> -> memref<100001x128xf32, #tpu.memory_space<hbm>>
    tpu.enqueue_indirect_dma source(%dma_start3A_104 : memref<100001x128xf32, #tpu.memory_space<hbm>>) target(%dma_start3A_98 : memref<128x128xf32, #tpu.memory_space<vmem>>) offsets(%dma_start3A_101 : memref<128xi32, #tpu.memory_space<vmem>>) semaphore(%arg9 : memref<!tpu.dma_semaphore, #tpu.memory_space<semaphore_mem>>)
    %dma_start3A_105 = arith.constant 3 : i32
    %dma_start3A_106 = arith.constant 128 : i32
    %dma_start3A_107 = arith.constant 0 : i32
    %dma_start3A_108 = tpu.memref_slice %arg8[%dma_start3A_106, %dma_start3A_107] : memref<256x128xf32, #tpu.memory_space<vmem>> -> memref<128x128xf32, #tpu.memory_space<vmem>>
    %dma_start3A_109 = arith.constant 0 : i32
    %dma_start3A_110 = tpu.memref_slice %arg5[%dma_start3A_105, %dma_start3A_109] : memref<8x128xi32, #tpu.memory_space<vmem>> -> memref<1x128xi32, #tpu.memory_space<vmem>>
    %dma_start3A_111 = tpu.memref_squeeze %dma_start3A_110 : memref<1x128xi32, #tpu.memory_space<vmem>> -> memref<128xi32, #tpu.memory_space<vmem>>
    %dma_start3A_112 = arith.constant 0 : i32
    %dma_start3A_113 = arith.constant 0 : i32
    %dma_start3A_114 = tpu.memref_slice %arg3[%dma_start3A_112, %dma_start3A_113] : memref<100001x128xf32, #tpu.memory_space<hbm>> -> memref<100001x128xf32, #tpu.memory_space<hbm>>
    tpu.enqueue_indirect_dma source(%dma_start3A_114 : memref<100001x128xf32, #tpu.memory_space<hbm>>) target(%dma_start3A_108 : memref<128x128xf32, #tpu.memory_space<vmem>>) offsets(%dma_start3A_111 : memref<128xi32, #tpu.memory_space<vmem>>) semaphore(%arg9 : memref<!tpu.dma_semaphore, #tpu.memory_space<semaphore_mem>>)
    %dma_wait3A_115 = arith.constant 2 : i32
    %dma_wait3A_116 = arith.constant 0 : i32
    %dma_wait3A_117 = arith.constant 0 : i32
    %dma_wait3A_118 = tpu.memref_slice %arg8[%dma_wait3A_116, %dma_wait3A_117] : memref<256x128xf32, #tpu.memory_space<vmem>> -> memref<128x128xf32, #tpu.memory_space<vmem>>
    %dma_wait3A_119 = arith.constant 0 : i32
    %dma_wait3A_120 = tpu.memref_slice %arg5[%dma_wait3A_115, %dma_wait3A_119] : memref<8x128xi32, #tpu.memory_space<vmem>> -> memref<1x128xi32, #tpu.memory_space<vmem>>
    %dma_wait3A_121 = tpu.memref_squeeze %dma_wait3A_120 : memref<1x128xi32, #tpu.memory_space<vmem>> -> memref<128xi32, #tpu.memory_space<vmem>>
    %dma_wait3A_122 = arith.constant 0 : i32
    %dma_wait3A_123 = arith.constant 0 : i32
    %dma_wait3A_124 = tpu.memref_slice %arg3[%dma_wait3A_122, %dma_wait3A_123] : memref<100001x128xf32, #tpu.memory_space<hbm>> -> memref<100001x128xf32, #tpu.memory_space<hbm>>
    tpu.wait_indirect_dma semaphore(%arg9 : memref<!tpu.dma_semaphore, #tpu.memory_space<semaphore_mem>>) src(%dma_wait3A_124 : memref<100001x128xf32, #tpu.memory_space<hbm>>) dst(%dma_wait3A_118 : memref<128x128xf32, #tpu.memory_space<vmem>>)
    %dma_wait3A_125 = arith.constant 3 : i32
    %dma_wait3A_126 = arith.constant 128 : i32
    %dma_wait3A_127 = arith.constant 0 : i32
    %dma_wait3A_128 = tpu.memref_slice %arg8[%dma_wait3A_126, %dma_wait3A_127] : memref<256x128xf32, #tpu.memory_space<vmem>> -> memref<128x128xf32, #tpu.memory_space<vmem>>
    %dma_wait3A_129 = arith.constant 0 : i32
    %dma_wait3A_130 = tpu.memref_slice %arg5[%dma_wait3A_125, %dma_wait3A_129] : memref<8x128xi32, #tpu.memory_space<vmem>> -> memref<1x128xi32, #tpu.memory_space<vmem>>
    %dma_wait3A_131 = tpu.memref_squeeze %dma_wait3A_130 : memref<1x128xi32, #tpu.memory_space<vmem>> -> memref<128xi32, #tpu.memory_space<vmem>>
    %dma_wait3A_132 = arith.constant 0 : i32
    %dma_wait3A_133 = arith.constant 0 : i32
    %dma_wait3A_134 = tpu.memref_slice %arg3[%dma_wait3A_132, %dma_wait3A_133] : memref<100001x128xf32, #tpu.memory_space<hbm>> -> memref<100001x128xf32, #tpu.memory_space<hbm>>
    tpu.wait_indirect_dma semaphore(%arg9 : memref<!tpu.dma_semaphore, #tpu.memory_space<semaphore_mem>>) src(%dma_wait3A_134 : memref<100001x128xf32, #tpu.memory_space<hbm>>) dst(%dma_wait3A_128 : memref<128x128xf32, #tpu.memory_space<vmem>>)
    %add3A_135 = arith.constant 24576 : i32
    %add3A_136 = arith.addi %mul3A_2, %add3A_135 : i32
    %add3A_137 = arith.constant 256 : i32
    %add3A_138 = arith.addi %add3A_136, %add3A_137 : i32
    %multiple_of3A_139 = tpu.assume_multiple %add3A_138, 256 : i32
    %dma_start3A_140 = arith.constant 0 : i32
    %dma_start3A_141 = tpu.memref_slice %arg4[%multiple_of3A_139, %dma_start3A_140] : memref<819200x128xf32, #tpu.memory_space<hbm>> -> memref<256x128xf32, #tpu.memory_space<hbm>>
    %dma_start3A_142 = arith.constant 0 : i32
    %dma_start3A_143 = tpu.memref_slice %arg4[%multiple_of3A_139, %dma_start3A_142] : memref<819200x128xf32, #tpu.memory_space<hbm>> -> memref<256x128xf32, #tpu.memory_space<hbm>>
    tpu.enqueue_dma source(%arg8 : memref<256x128xf32, #tpu.memory_space<vmem>>) target(%dma_start3A_143 : memref<256x128xf32, #tpu.memory_space<hbm>>) target_semaphore(%arg11 : memref<!tpu.dma_semaphore, #tpu.memory_space<semaphore_mem>>)
    %dma_wait3A_144 = arith.constant 0 : i32
    %dma_wait3A_145 = arith.constant 0 : i32
    %dma_wait3A_146 = tpu.memref_slice %arg4[%dma_wait3A_144, %dma_wait3A_145] : memref<819200x128xf32, #tpu.memory_space<hbm>> -> memref<256x128xf32, #tpu.memory_space<hbm>>
    %dma_wait3A_147 = arith.constant 0 : i32
    %dma_wait3A_148 = arith.constant 0 : i32
    %dma_wait3A_149 = tpu.memref_slice %arg4[%dma_wait3A_147, %dma_wait3A_148] : memref<819200x128xf32, #tpu.memory_space<hbm>> -> memref<256x128xf32, #tpu.memory_space<hbm>>
    tpu.wait_dma2 semaphore(%arg10 : memref<!tpu.dma_semaphore, #tpu.memory_space<semaphore_mem>>) src(%arg7 : memref<256x128xf32, #tpu.memory_space<vmem>>) dst(%dma_wait3A_149 : memref<256x128xf32, #tpu.memory_space<hbm>>)
    %dma_start3A_150 = arith.constant 4 : i32
    %dma_start3A_151 = arith.constant 0 : i32
    %dma_start3A_152 = arith.constant 0 : i32
    %dma_start3A_153 = tpu.memref_slice %arg7[%dma_start3A_151, %dma_start3A_152] : memref<256x128xf32, #tpu.memory_space<vmem>> -> memref<128x128xf32, #tpu.memory_space<vmem>>
    %dma_start3A_154 = arith.constant 0 : i32
    %dma_start3A_155 = tpu.memref_slice %arg5[%dma_start3A_150, %dma_start3A_154] : memref<8x128xi32, #tpu.memory_space<vmem>> -> memref<1x128xi32, #tpu.memory_space<vmem>>
    %dma_start3A_156 = tpu.memref_squeeze %dma_start3A_155 : memref<1x128xi32, #tpu.memory_space<vmem>> -> memref<128xi32, #tpu.memory_space<vmem>>
    %dma_start3A_157 = arith.constant 0 : i32
    %dma_start3A_158 = arith.constant 0 : i32
    %dma_start3A_159 = tpu.memref_slice %arg3[%dma_start3A_157, %dma_start3A_158] : memref<100001x128xf32, #tpu.memory_space<hbm>> -> memref<100001x128xf32, #tpu.memory_space<hbm>>
    tpu.enqueue_indirect_dma source(%dma_start3A_159 : memref<100001x128xf32, #tpu.memory_space<hbm>>) target(%dma_start3A_153 : memref<128x128xf32, #tpu.memory_space<vmem>>) offsets(%dma_start3A_156 : memref<128xi32, #tpu.memory_space<vmem>>) semaphore(%arg9 : memref<!tpu.dma_semaphore, #tpu.memory_space<semaphore_mem>>)
    %dma_start3A_160 = arith.constant 5 : i32
    %dma_start3A_161 = arith.constant 128 : i32
    %dma_start3A_162 = arith.constant 0 : i32
    %dma_start3A_163 = tpu.memref_slice %arg7[%dma_start3A_161, %dma_start3A_162] : memref<256x128xf32, #tpu.memory_space<vmem>> -> memref<128x128xf32, #tpu.memory_space<vmem>>
    %dma_start3A_164 = arith.constant 0 : i32
    %dma_start3A_165 = tpu.memref_slice %arg5[%dma_start3A_160, %dma_start3A_164] : memref<8x128xi32, #tpu.memory_space<vmem>> -> memref<1x128xi32, #tpu.memory_space<vmem>>
    %dma_start3A_166 = tpu.memref_squeeze %dma_start3A_165 : memref<1x128xi32, #tpu.memory_space<vmem>> -> memref<128xi32, #tpu.memory_space<vmem>>
    %dma_start3A_167 = arith.constant 0 : i32
    %dma_start3A_168 = arith.constant 0 : i32
    %dma_start3A_169 = tpu.memref_slice %arg3[%dma_start3A_167, %dma_start3A_168] : memref<100001x128xf32, #tpu.memory_space<hbm>> -> memref<100001x128xf32, #tpu.memory_space<hbm>>
    tpu.enqueue_indirect_dma source(%dma_start3A_169 : memref<100001x128xf32, #tpu.memory_space<hbm>>) target(%dma_start3A_163 : memref<128x128xf32, #tpu.memory_space<vmem>>) offsets(%dma_start3A_166 : memref<128xi32, #tpu.memory_space<vmem>>) semaphore(%arg9 : memref<!tpu.dma_semaphore, #tpu.memory_space<semaphore_mem>>)
    %dma_wait3A_170 = arith.constant 4 : i32
    %dma_wait3A_171 = arith.constant 0 : i32
    %dma_wait3A_172 = arith.constant 0 : i32
    %dma_wait3A_173 = tpu.memref_slice %arg7[%dma_wait3A_171, %dma_wait3A_172] : memref<256x128xf32, #tpu.memory_space<vmem>> -> memref<128x128xf32, #tpu.memory_space<vmem>>
    %dma_wait3A_174 = arith.constant 0 : i32
    %dma_wait3A_175 = tpu.memref_slice %arg5[%dma_wait3A_170, %dma_wait3A_174] : memref<8x128xi32, #tpu.memory_space<vmem>> -> memref<1x128xi32, #tpu.memory_space<vmem>>
    %dma_wait3A_176 = tpu.memref_squeeze %dma_wait3A_175 : memref<1x128xi32, #tpu.memory_space<vmem>> -> memref<128xi32, #tpu.memory_space<vmem>>
    %dma_wait3A_177 = arith.constant 0 : i32
    %dma_wait3A_178 = arith.constant 0 : i32
    %dma_wait3A_179 = tpu.memref_slice %arg3[%dma_wait3A_177, %dma_wait3A_178] : memref<100001x128xf32, #tpu.memory_space<hbm>> -> memref<100001x128xf32, #tpu.memory_space<hbm>>
    tpu.wait_indirect_dma semaphore(%arg9 : memref<!tpu.dma_semaphore, #tpu.memory_space<semaphore_mem>>) src(%dma_wait3A_179 : memref<100001x128xf32, #tpu.memory_space<hbm>>) dst(%dma_wait3A_173 : memref<128x128xf32, #tpu.memory_space<vmem>>)
    %dma_wait3A_180 = arith.constant 5 : i32
    %dma_wait3A_181 = arith.constant 128 : i32
    %dma_wait3A_182 = arith.constant 0 : i32
    %dma_wait3A_183 = tpu.memref_slice %arg7[%dma_wait3A_181, %dma_wait3A_182] : memref<256x128xf32, #tpu.memory_space<vmem>> -> memref<128x128xf32, #tpu.memory_space<vmem>>
    %dma_wait3A_184 = arith.constant 0 : i32
    %dma_wait3A_185 = tpu.memref_slice %arg5[%dma_wait3A_180, %dma_wait3A_184] : memref<8x128xi32, #tpu.memory_space<vmem>> -> memref<1x128xi32, #tpu.memory_space<vmem>>
    %dma_wait3A_186 = tpu.memref_squeeze %dma_wait3A_185 : memref<1x128xi32, #tpu.memory_space<vmem>> -> memref<128xi32, #tpu.memory_space<vmem>>
    %dma_wait3A_187 = arith.constant 0 : i32
    %dma_wait3A_188 = arith.constant 0 : i32
    %dma_wait3A_189 = tpu.memref_slice %arg3[%dma_wait3A_187, %dma_wait3A_188] : memref<100001x128xf32, #tpu.memory_space<hbm>> -> memref<100001x128xf32, #tpu.memory_space<hbm>>
    tpu.wait_indirect_dma semaphore(%arg9 : memref<!tpu.dma_semaphore, #tpu.memory_space<semaphore_mem>>) src(%dma_wait3A_189 : memref<100001x128xf32, #tpu.memory_space<hbm>>) dst(%dma_wait3A_183 : memref<128x128xf32, #tpu.memory_space<vmem>>)
    %add3A_190 = arith.constant 24576 : i32
    %add3A_191 = arith.addi %mul3A_2, %add3A_190 : i32
    %add3A_192 = arith.constant 512 : i32
    %add3A_193 = arith.addi %add3A_191, %add3A_192 : i32
    %multiple_of3A_194 = tpu.assume_multiple %add3A_193, 256 : i32
    %dma_start3A_195 = arith.constant 0 : i32
    %dma_start3A_196 = tpu.memref_slice %arg4[%multiple_of3A_194, %dma_start3A_195] : memref<819200x128xf32, #tpu.memory_space<hbm>> -> memref<256x128xf32, #tpu.memory_space<hbm>>
    %dma_start3A_197 = arith.constant 0 : i32
    %dma_start3A_198 = tpu.memref_slice %arg4[%multiple_of3A_194, %dma_start3A_197] : memref<819200x128xf32, #tpu.memory_space<hbm>> -> memref<256x128xf32, #tpu.memory_space<hbm>>
    tpu.enqueue_dma source(%arg7 : memref<256x128xf32, #tpu.memory_space<vmem>>) target(%dma_start3A_198 : memref<256x128xf32, #tpu.memory_space<hbm>>) target_semaphore(%arg10 : memref<!tpu.dma_semaphore, #tpu.memory_space<semaphore_mem>>)
    %dma_wait3A_199 = arith.constant 0 : i32
    %dma_wait3A_200 = arith.constant 0 : i32
    %dma_wait3A_201 = tpu.memref_slice %arg4[%dma_wait3A_199, %dma_wait3A_200] : memref<819200x128xf32, #tpu.memory_space<hbm>> -> memref<256x128xf32, #tpu.memory_space<hbm>>
    %dma_wait3A_202 = arith.constant 0 : i32
    %dma_wait3A_203 = arith.constant 0 : i32
    %dma_wait3A_204 = tpu.memref_slice %arg4[%dma_wait3A_202, %dma_wait3A_203] : memref<819200x128xf32, #tpu.memory_space<hbm>> -> memref<256x128xf32, #tpu.memory_space<hbm>>
    tpu.wait_dma2 semaphore(%arg11 : memref<!tpu.dma_semaphore, #tpu.memory_space<semaphore_mem>>) src(%arg7 : memref<256x128xf32, #tpu.memory_space<vmem>>) dst(%dma_wait3A_204 : memref<256x128xf32, #tpu.memory_space<hbm>>)
    %dma_start3A_205 = arith.constant 6 : i32
    %dma_start3A_206 = arith.constant 0 : i32
    %dma_start3A_207 = arith.constant 0 : i32
    %dma_start3A_208 = tpu.memref_slice %arg8[%dma_start3A_206, %dma_start3A_207] : memref<256x128xf32, #tpu.memory_space<vmem>> -> memref<128x128xf32, #tpu.memory_space<vmem>>
    %dma_start3A_209 = arith.constant 0 : i32
    %dma_start3A_210 = tpu.memref_slice %arg5[%dma_start3A_205, %dma_start3A_209] : memref<8x128xi32, #tpu.memory_space<vmem>> -> memref<1x128xi32, #tpu.memory_space<vmem>>
    %dma_start3A_211 = tpu.memref_squeeze %dma_start3A_210 : memref<1x128xi32, #tpu.memory_space<vmem>> -> memref<128xi32, #tpu.memory_space<vmem>>
    %dma_start3A_212 = arith.constant 0 : i32
    %dma_start3A_213 = arith.constant 0 : i32
    %dma_start3A_214 = tpu.memref_slice %arg3[%dma_start3A_212, %dma_start3A_213] : memref<100001x128xf32, #tpu.memory_space<hbm>> -> memref<100001x128xf32, #tpu.memory_space<hbm>>
    tpu.enqueue_indirect_dma source(%dma_start3A_214 : memref<100001x128xf32, #tpu.memory_space<hbm>>) target(%dma_start3A_208 : memref<128x128xf32, #tpu.memory_space<vmem>>) offsets(%dma_start3A_211 : memref<128xi32, #tpu.memory_space<vmem>>) semaphore(%arg9 : memref<!tpu.dma_semaphore, #tpu.memory_space<semaphore_mem>>)
    %dma_start3A_215 = arith.constant 7 : i32
    %dma_start3A_216 = arith.constant 128 : i32
    %dma_start3A_217 = arith.constant 0 : i32
    %dma_start3A_218 = tpu.memref_slice %arg8[%dma_start3A_216, %dma_start3A_217] : memref<256x128xf32, #tpu.memory_space<vmem>> -> memref<128x128xf32, #tpu.memory_space<vmem>>
    %dma_start3A_219 = arith.constant 0 : i32
    %dma_start3A_220 = tpu.memref_slice %arg5[%dma_start3A_215, %dma_start3A_219] : memref<8x128xi32, #tpu.memory_space<vmem>> -> memref<1x128xi32, #tpu.memory_space<vmem>>
    %dma_start3A_221 = tpu.memref_squeeze %dma_start3A_220 : memref<1x128xi32, #tpu.memory_space<vmem>> -> memref<128xi32, #tpu.memory_space<vmem>>
    %dma_start3A_222 = arith.constant 0 : i32
    %dma_start3A_223 = arith.constant 0 : i32
    %dma_start3A_224 = tpu.memref_slice %arg3[%dma_start3A_222, %dma_start3A_223] : memref<100001x128xf32, #tpu.memory_space<hbm>> -> memref<100001x128xf32, #tpu.memory_space<hbm>>
    tpu.enqueue_indirect_dma source(%dma_start3A_224 : memref<100001x128xf32, #tpu.memory_space<hbm>>) target(%dma_start3A_218 : memref<128x128xf32, #tpu.memory_space<vmem>>) offsets(%dma_start3A_221 : memref<128xi32, #tpu.memory_space<vmem>>) semaphore(%arg9 : memref<!tpu.dma_semaphore, #tpu.memory_space<semaphore_mem>>)
    %dma_wait3A_225 = arith.constant 6 : i32
    %dma_wait3A_226 = arith.constant 0 : i32
    %dma_wait3A_227 = arith.constant 0 : i32
    %dma_wait3A_228 = tpu.memref_slice %arg8[%dma_wait3A_226, %dma_wait3A_227] : memref<256x128xf32, #tpu.memory_space<vmem>> -> memref<128x128xf32, #tpu.memory_space<vmem>>
    %dma_wait3A_229 = arith.constant 0 : i32
    %dma_wait3A_230 = tpu.memref_slice %arg5[%dma_wait3A_225, %dma_wait3A_229] : memref<8x128xi32, #tpu.memory_space<vmem>> -> memref<1x128xi32, #tpu.memory_space<vmem>>
    %dma_wait3A_231 = tpu.memref_squeeze %dma_wait3A_230 : memref<1x128xi32, #tpu.memory_space<vmem>> -> memref<128xi32, #tpu.memory_space<vmem>>
    %dma_wait3A_232 = arith.constant 0 : i32
    %dma_wait3A_233 = arith.constant 0 : i32
    %dma_wait3A_234 = tpu.memref_slice %arg3[%dma_wait3A_232, %dma_wait3A_233] : memref<100001x128xf32, #tpu.memory_space<hbm>> -> memref<100001x128xf32, #tpu.memory_space<hbm>>
    tpu.wait_indirect_dma semaphore(%arg9 : memref<!tpu.dma_semaphore, #tpu.memory_space<semaphore_mem>>) src(%dma_wait3A_234 : memref<100001x128xf32, #tpu.memory_space<hbm>>) dst(%dma_wait3A_228 : memref<128x128xf32, #tpu.memory_space<vmem>>)
    %dma_wait3A_235 = arith.constant 7 : i32
    %dma_wait3A_236 = arith.constant 128 : i32
    %dma_wait3A_237 = arith.constant 0 : i32
    %dma_wait3A_238 = tpu.memref_slice %arg8[%dma_wait3A_236, %dma_wait3A_237] : memref<256x128xf32, #tpu.memory_space<vmem>> -> memref<128x128xf32, #tpu.memory_space<vmem>>
    %dma_wait3A_239 = arith.constant 0 : i32
    %dma_wait3A_240 = tpu.memref_slice %arg5[%dma_wait3A_235, %dma_wait3A_239] : memref<8x128xi32, #tpu.memory_space<vmem>> -> memref<1x128xi32, #tpu.memory_space<vmem>>
    %dma_wait3A_241 = tpu.memref_squeeze %dma_wait3A_240 : memref<1x128xi32, #tpu.memory_space<vmem>> -> memref<128xi32, #tpu.memory_space<vmem>>
    %dma_wait3A_242 = arith.constant 0 : i32
    %dma_wait3A_243 = arith.constant 0 : i32
    %dma_wait3A_244 = tpu.memref_slice %arg3[%dma_wait3A_242, %dma_wait3A_243] : memref<100001x128xf32, #tpu.memory_space<hbm>> -> memref<100001x128xf32, #tpu.memory_space<hbm>>
    tpu.wait_indirect_dma semaphore(%arg9 : memref<!tpu.dma_semaphore, #tpu.memory_space<semaphore_mem>>) src(%dma_wait3A_244 : memref<100001x128xf32, #tpu.memory_space<hbm>>) dst(%dma_wait3A_238 : memref<128x128xf32, #tpu.memory_space<vmem>>)
    %add3A_245 = arith.constant 24576 : i32
    %add3A_246 = arith.addi %mul3A_2, %add3A_245 : i32
    %add3A_247 = arith.constant 768 : i32
    %add3A_248 = arith.addi %add3A_246, %add3A_247 : i32
    %multiple_of3A_249 = tpu.assume_multiple %add3A_248, 256 : i32
    %dma_start3A_250 = arith.constant 0 : i32
    %dma_start3A_251 = tpu.memref_slice %arg4[%multiple_of3A_249, %dma_start3A_250] : memref<819200x128xf32, #tpu.memory_space<hbm>> -> memref<256x128xf32, #tpu.memory_space<hbm>>
    %dma_start3A_252 = arith.constant 0 : i32
    %dma_start3A_253 = tpu.memref_slice %arg4[%multiple_of3A_249, %dma_start3A_252] : memref<819200x128xf32, #tpu.memory_space<hbm>> -> memref<256x128xf32, #tpu.memory_space<hbm>>
    tpu.enqueue_dma source(%arg8 : memref<256x128xf32, #tpu.memory_space<vmem>>) target(%dma_start3A_253 : memref<256x128xf32, #tpu.memory_space<hbm>>) target_semaphore(%arg11 : memref<!tpu.dma_semaphore, #tpu.memory_space<semaphore_mem>>)
    %dma_wait3A_254 = arith.constant 0 : i32
    %dma_wait3A_255 = arith.constant 0 : i32
    %dma_wait3A_256 = tpu.memref_slice %arg4[%dma_wait3A_254, %dma_wait3A_255] : memref<819200x128xf32, #tpu.memory_space<hbm>> -> memref<256x128xf32, #tpu.memory_space<hbm>>
    %dma_wait3A_257 = arith.constant 0 : i32
    %dma_wait3A_258 = arith.constant 0 : i32
    %dma_wait3A_259 = tpu.memref_slice %arg4[%dma_wait3A_257, %dma_wait3A_258] : memref<819200x128xf32, #tpu.memory_space<hbm>> -> memref<256x128xf32, #tpu.memory_space<hbm>>
    tpu.wait_dma2 semaphore(%arg10 : memref<!tpu.dma_semaphore, #tpu.memory_space<semaphore_mem>>) src(%arg7 : memref<256x128xf32, #tpu.memory_space<vmem>>) dst(%dma_wait3A_259 : memref<256x128xf32, #tpu.memory_space<hbm>>)
    %dma_wait3A_260 = arith.constant 0 : i32
    %dma_wait3A_261 = arith.constant 0 : i32
    %dma_wait3A_262 = tpu.memref_slice %arg4[%dma_wait3A_260, %dma_wait3A_261] : memref<819200x128xf32, #tpu.memory_space<hbm>> -> memref<256x128xf32, #tpu.memory_space<hbm>>
    %dma_wait3A_263 = arith.constant 0 : i32
    %dma_wait3A_264 = arith.constant 0 : i32
    %dma_wait3A_265 = tpu.memref_slice %arg4[%dma_wait3A_263, %dma_wait3A_264] : memref<819200x128xf32, #tpu.memory_space<hbm>> -> memref<256x128xf32, #tpu.memory_space<hbm>>
    tpu.wait_dma2 semaphore(%arg11 : memref<!tpu.dma_semaphore, #tpu.memory_space<semaphore_mem>>) src(%arg7 : memref<256x128xf32, #tpu.memory_space<vmem>>) dst(%dma_wait3A_265 : memref<256x128xf32, #tpu.memory_space<hbm>>)
    return
  }
}

</mosaic_0001>

<sc_bundles>
// kernel: kernel.3.cloned.1.call-start
scs
__scs_entry_jumppad:
0x0: {  	(pc) =	sbr.rel $0x88, $3  }
0x1: {  	(tag) =	ssettag $0x0;
	lr =	simm.s32 $0x1  }
0x2: {  	[smem:$0x3F9F] =	sst lr;
	_ =	strace $0xD0000000  }
0x3: {  	_ = 	snop  }
0x4: {  	_ = 	snop  }
0x5: {  	_ = 	snop  }
0x6: {  	_ = 	snop  }
0x7: {  	_ = 	snop  }
__scs_overlays_trampoline_lowered:
0x8: {  	[smem:$0x3FAE] =	sst s0  }
0x9: {  	[smem:$0x3FAF] =	sst s1  }
0xa: {  	[smem:$0x3FB0] =	sst s2  }
0xb: {  	[smem:$0x3FB1] =	sst s3  }
0xc: {  	[smem:$0x3FB2] =	sst s4  }
0xd: {  	[smem:$0x3FB3] =	sst s5  }
0xe: {  	[smem:$0x3FB4] =	sst s6  }
0xf: {  	[smem:$0x3FB5] =	sst s7  }
0x10: {  	[smem:$0x3FB6] =	sst s8  }
0x11: {  	[smem:$0x3FB7] =	sst s9;
	s0 =	simm.s32 @!p0 $0x0  }
0x12: {  	s1 =	sld [smem:$0x3F9D];
	s0 =	simm.s32 @p0 $0x1  }
0x13: {  	[smem:$0x3FB8] =	sst s0;
	s0 =	simm.s32 @!p1 $0x0  }
0x14: {  	s2 =	sld [smem:$0x3F9C];
	s0 =	simm.s32 @p1 $0x1  }
0x15: {  	[smem:$0x3FB9] =	sst s0;
	s0 =	simm.s32 @!p2 $0x0  }
0x16: {  	s3 =	sld [smem:$0x3FDB];
	s0 =	simm.s32 @p2 $0x1  }
0x17: {  	s4 =	simm.s32 $0x1BF5;
	[smem:$0x3FBB] =	sst s0  }
0x18: {  	s0 =	sld [smem:$0x3F9E];
	_ =	swait.ge [sflag:s4], $0x0  }
0x19: {  	s7 =	sld [smem:$0x3F9F]  }
0x1a: {  	s8 =	sadd.s32 $0xFFFFE003, lr  }
0x1b: {  	s9 =	sadd.s32 $0xFFFFFEF7, lr;
	s5 =	simm.s32 $0xFFFFFFFF;
	p2 =	slt.u32 s8, $0xFFFFF086  }
0x1c: {  	p1 =	slt.u32 s9, $0xF7A;
	s5 =	simm.s32 @!p2 $0x0  }
0x1d: {  	s5 =	simm.s32 @p1 $0x1;
	p0 =	seq.s32 s7, s2  }
0x1e: {  	s7 =	smul.u32 @!p0 $0xF7A, s2;
	p2 =	seq.s32 @!p0 s5, $0x0  }
0x1f: {  	s9 =	smul.u32 $0xF7A, s1;
	s8 =	simm.s32 @!p0 $0x1BF5;
	p2 =	por !p2, p0  }
0x20: {  	[sflag:s8] =	ssyncset.s32 @!p0 $0xFFFFF086;
	s6 =	sadd.s32 @!p0 s3, s7;
	s7 =	simm.s32 @!p0 $0x108  }
0x21: {  	s3 =	sadd.s32 s3, s9;
	s6 =	sadd.s32 @!p0 $0x88, s6;
	s7 =	simm.s32 @p2 $0x1082  }
0x22: {  	[simem:s7], [sflag:s8] =	dma.local @!p0 [hbm:s6], $0xF7A  }
0x23: {  	s9 =	sor.u32 $0xD0000000, s2;
	s6 =	simm.s32 $0x108;
	_ =	swait.ge @!p0 [sflag:s8], $0x0  }
0x24: {  	s3 =	sadd.s32 $0x88, s3;
	s6 =	simm.s32 @!p1 $0x1082;
	[sflag:s4] =	ssyncset.s32 $0xFFFFF086  }
0x25: {  	[simem:s6], [sflag:s4] =	dma.local [hbm:s3], $0xF7A  }
0x26: {  	[smem:$0x3F9F] =	sst s1;
	(tag) =	ssettag s2;
	_ =	strace s9  }
0x27: {  	s1 =	sld [smem:$0x3FAF]  }
0x28: {  	s2 =	sld [smem:$0x3FB0]  }
0x29: {  	s4 =	sld [smem:$0x3FB2]  }
0x2a: {  	p0 =	seq.s32 s5, $0x0;
	s5 =	sld [smem:$0x3FB3]  }
0x2b: {  	s6 =	sld [smem:$0x3FB4]  }
0x2c: {  	s7 =	sld [smem:$0x3FB5]  }
0x2d: {  	s3 =	simm.s32 $0x108;
	s8 =	sld [smem:$0x3FB6]  }
0x2e: {  	s3 =	simm.s32 @!p0 $0x1082;
	s9 =	sld [smem:$0x3FB7]  }
0x2f: {  	lr =	sadd.s32 s0, s3;
	s0 =	sld [smem:$0x3FAE]  }
0x30: {  	s3 =	sld [smem:$0x3FB1]  }
0x31: {  	[smem:$0x3FBA] =	sst s10  }
0x32: {  	s10 =	sld [smem:$0x3FB8];
	_ =	sdelay $0x3  }
0x33: {  	p0 =	seq.s32 s10, $0x1;
	s10 =	sld [smem:$0x3FBA];
	_ =	sdelay $0x3  }
0x34: {  	[smem:$0x3FBA] =	sst s10  }
0x35: {  	s10 =	sld [smem:$0x3FB9];
	_ =	sdelay $0x3  }
0x36: {  	p1 =	seq.s32 s10, $0x1;
	s10 =	sld [smem:$0x3FBA];
	_ =	sdelay $0x3  }
0x37: {  	[smem:$0x3FBA] =	sst s10  }
0x38: {  	s10 =	sld [smem:$0x3FBB]  }
0x39: {  	_ = 	snop;
	(pc) =	sbr.ind lr, $3  }
0x3a: {  	_ = 	snop  }
0x3b: {  	_ = 	snop  }
0x3c: {  	p2 =	seq.s32 s10, $0x1;
	s10 =	sld [smem:$0x3FBA]  }
0x3d: {  	_ =	shalt  }
0x3e: {  	_ =	shalt  }
0x3f: {  	_ =	shalt  }
0x40: {  	_ =	shalt  }
0x41: {  	_ =	shalt  }
0x42: {  	_ =	shalt  }
0x43: {  	_ =	shalt  }
0x44: {  	_ =	shalt  }
0x45: {  	_ =	shalt  }
0x46: {  	_ =	shalt  }
0x47: {  	_ =	shalt  }
0x48: {  	_ =	shalt  }
0x49: {  	_ =	shalt  }
0x4a: {  	_ =	shalt  }
0x4b: {  	_ =	shalt  }
0x4c: {  	_ =	shalt  }
0x4d: {  	_ =	shalt  }
0x4e: {  	_ =	shalt  }
0x4f: {  	_ =	shalt  }
0x50: {  	_ =	shalt  }
0x51: {  	_ =	shalt  }
0x52: {  	_ =	shalt  }
0x53: {  	_ =	shalt  }
0x54: {  	_ =	shalt  }
0x55: {  	_ =	shalt  }
0x56: {  	_ =	shalt  }
0x57: {  	_ =	shalt  }
0x58: {  	_ =	shalt  }
0x59: {  	_ =	shalt  }
0x5a: {  	_ =	shalt  }
0x5b: {  	_ =	shalt  }
0x5c: {  	_ =	shalt  }
0x5d: {  	_ =	shalt  }
0x5e: {  	_ =	shalt  }
0x5f: {  	_ =	shalt  }
0x60: {  	_ =	shalt  }
0x61: {  	_ =	shalt  }
0x62: {  	_ =	shalt  }
0x63: {  	_ =	shalt  }
0x64: {  	_ =	shalt  }
0x65: {  	_ =	shalt  }
0x66: {  	_ =	shalt  }
0x67: {  	_ =	shalt  }
0x68: {  	_ =	shalt  }
0x69: {  	_ =	shalt  }
0x6a: {  	_ =	shalt  }
0x6b: {  	_ =	shalt  }
0x6c: {  	_ =	shalt  }
0x6d: {  	_ =	shalt  }
0x6e: {  	_ =	shalt  }
0x6f: {  	_ =	shalt  }
0x70: {  	_ =	shalt  }
0x71: {  	_ =	shalt  }
0x72: {  	_ =	shalt  }
0x73: {  	_ =	shalt  }
0x74: {  	_ =	shalt  }
0x75: {  	_ =	shalt  }
0x76: {  	_ =	shalt  }
0x77: {  	_ =	shalt  }
0x78: {  	_ =	shalt  }
0x79: {  	_ =	shalt  }
0x7a: {  	_ =	shalt  }
0x7b: {  	_ =	shalt  }
0x7c: {  	_ =	shalt  }
0x7d: {  	_ =	shalt  }
0x7e: {  	_ =	shalt  }
0x7f: {  	_ =	shalt  }
0x80: {  	_ =	shalt  }
0x81: {  	_ =	shalt  }
0x82: {  	_ =	shalt  }
0x83: {  	_ =	shalt  }
0x84: {  	_ =	shalt  }
0x85: {  	_ =	shalt  }
0x86: {  	_ =	shalt  }
0x87: {  	_ =	shalt  }
.Lfunc_end0:
.L_simem_size_0:
called_computation.1_lowered:
.L_overlay_start_0:
0x88: {  	s2 =	sld [smem:$0x3FD9]  }
0x89: {  	s3 =	sld [smem:$0x3FFE];
	_ =	sdelay $0x1  }
0x8a: {  	s1 =	srdreg.scid  }
0x8b: {  	s0 =	sand.u32 $0x1, s1  }
0x8c: {  	s16 =	sshll.u32 s0, $0xA;
	s2 =	sadd.s32 s3, s2  }
0x8d: {  	s2 =	sadd.s32 s2, s16  }
0x8e: {  	[smem:$0x3FC6] =	sst s2  }
0x8f: {  	_ = 	snop  }
0x90: {  	(tm) =	ssettm $0x1  }
0x91: {  	s17 =	sld [smem:$0x3FFB];
	_ =	sdelay $0x3  }
0x92: {  	_ =	strace s17  }
0x93: {  	s2 =	sld [smem:$0x3FFC];
	_ =	sdelay $0x3  }
0x94: {  	_ =	strace s2  }
0x95: {  	s2 =	sld [smem:$0x3FFD];
	_ =	sdelay $0x3  }
0x96: {  	_ =	strace s2  }
0x97: {  	_ =	strace $0x8FFFFFFF  }
0x98: {  	s18 =	sld [smem:$0x3FDB];
	_ =	sdelay $0x1  }
0x99: {  	s19 =	simm.s32 $_scs_section_size  }
0x9a: {  	s4 =	simm.s32 $_size__tile_overlayer_lowered;
	s5 =	simm.s32 $_tile_overlayer_lowered  }
0x9b: {  	s22 =	simm.s32 $0x1BFF;
	s21 =	sshll.u32 s5, $0x1;
	s2 =	sadd.s32 s19, s18  }
0x9c: {  	s6 =	simm.s32 $0x0;
	s20 =	sshll.u32 s4, $0x1;
	s4 =	sadd.s32 s21, s2  }
0x9d: {  	[timem:s6], [sflag:s22] =	dma.local [hbm:s4], s20  }
0x9e: {  	_ =	swait.ge [sflag:s22], s20  }
0x9f: {  	s3 =	ssub.s32 $0x0, s20;
	[sflag:s22] =	ssyncset.done $0x0  }
0xa0: {  	[sflag:s22] =	ssyncadd.s32 s3;
	_ =	sdelay $0x1  }
0xa1: {  	s23 =	simm.s32 $0x1B8B  }
0xa2: {  	_ =	swait.ge [sflag:s23], $0x1  }
0xa3: {  	[sflag:s23] =	ssyncset.done $0x0  }
0xa4: {  	s25 =	simm.s32 $0x1B8E;
	s24 =	sld [smem:$0x3FFE];
	[sflag:s23] =	ssyncadd.s32 $0xFFFFFFFF  }
0xa5: {  	s26 =	simm.s32 $execute0_lowered;
	[smem:$0x3FD2] =	sst s25  }
0xa6: {  	s4 =	sshll.u32 s26, $0x1;
	_ =	strace $0x80000046;
	[dreg:$0x1] =	wrdreg $0xFFFFFFFF  }
0xa7: {  	s28 =	simm.s32 $_size_execute0_lowered;
	s2 =	sadd.s32 s2, s4;
	[dreg:$0x0] =	wrdreg $0x0  }
0xa8: {  	s4 =	sshll.u32 s28, $0x1;
	[dreg:$0x2] =	wrdreg s2  }
0xa9: {  	[dreg:$0x3] =	wrdreg s4  }
0xaa: {  	[dreg:$0x4] =	wrdreg $0xC0  }
0xab: {  	_ =	task [dreg:s6], $0x5FFFF  }
0xac: {  	[dreg:$0x1] =	wrdreg $0xFFFFFFFF  }
0xad: {  	[dreg:$0x0] =	wrdreg $0x60  }
0xae: {  	[dreg:$0x2] =	wrdreg s24  }
0xaf: {  	[dreg:$0x3] =	wrdreg $0x9  }
0xb0: {  	_ =	task.clear_ibuf [dreg:s6], $0x4FFFF;
	_ =	strace $0x90000046  }
0xb1: {  	s29 =	simm.s32 $0x9;
	_ =	strace $0x80000048  }
0xb2: {  	_ =	swait.ge [sflag:s29], $0x1  }
0xb3: {  	[sflag:s29] =	ssyncadd.s32 $0xFFFFFFFF  }
0xb4: {  	_ =	strace $0x90000048  }
0xb5: {  	_ =	sfence  }
0xb6: {  	s30 =	sld [smem:$0x0];
	_ =	sdelay $0x2  }
0xb7: {  	s31 =	sshll.u32 s1, $0xD;
	s1 =	sshrl.u32 s1, $0x2  }
0xb8: {  	s3 =	sand.u32 $0x4000, s31;
	s1 =	sadd.s32 s1, s30  }
0xb9: {  	s0 =	sor.u32 s3, s0;
	s1 =	sshll.u32 s1, $0x11  }
0xba: {  	s0 =	sor.u32 s1, s0  }
0xbb: {  	s0 =	sadd.s32 $0x8F2B, s0  }
0xbc: {  	[sflag:s0] =	ssyncadd.remote.s32 $0x1  }
0xbd: {  	_ =	sfence.sel $0xFFFF  }
0xbe: {  	[dreg:$0x0] =	wrdreg $0xFFFFFFFF;
	(pc) =	sbr.abs _section_cstart, $3  }
0xbf: {  	[dreg:$0x1] =	wrdreg $0xFFFFFFFF  }
0xc0: {  	_ =	task.clear_ibuf [dreg:s6], $0x2FFFF;
	_ =	strace $0x9FFFFFFF  }
0xc1: {  	(tm) =	ssettm $0x7FFFFFFF  }
tec
execute0_lowered:
.L_overlay_start_1:
0x0: {  	(tag) =	ssettag $0x1  }
0x1: {  	s0 =	rddreg [dreg:$0x0];
	s2 =	simm.s32 $0x0  }
0x2: {  	s1 =	srdreg.scid;
	s10 =	stileid.u32;
	s20 =	simm.s32 $0x480  }
0x3: {  	s21 =	simm.s32 $0x500;
	s22 =	simm.s32 $0x580;
	s23 =	simm.s32 $0x600  }
0x4: {  	s24 =	simm.s32 $0x680;
	s25 =	simm.s32 $0x700;
	s26 =	simm.s32 $0x780  }
0x5: {  	s28 =	simm.s32 $0x300;
	s29 =	simm.s32 $0x380;
	s30 =	simm.s32 $0x5  }
0x6: {  	s31 =	simm.s32 $0x0;
	[smem:$0x7FF] =	sst s2;
	s1 =	sand.u32 $0x1, s1  }
0x7: {  	s4 =	sshll.u32 s10, $0x1;
	s3 =	sadd.s32 $0x800, s0;
	s13 =	smul.u32 $0xC800, s10  }
0x8: {  	s15 =	smul.u32 $0xC8000, s10;
	_ =	strace $0x80000047;
	[dreg:$0x4] =	wrdreg s20  }
0x9: {  	s5 =	sor.u32 s1, s4;
	s4 =	sadd.s32 $0x19800, s0;
	[dreg:$0x5] =	wrdreg s21  }
0xa: {  	s6 =	ssub.s32 $0x2, s1;
	s9 =	smul.u32 $0x6400, s1;
	[dreg:$0x6] =	wrdreg s22  }
0xb: {  	s0 =	sadd.s32 $0x1A0400, s0;
	s1 =	smul.u32 $0x64000, s1;
	[dreg:$0x7] =	wrdreg s23  }
0xc: {  	s20 =	simm.s32 $0x8800;
	s21 =	simm.s32 $0x180;
	[dreg:$0x8] =	wrdreg s24  }
0xd: {  	s22 =	simm.s32 $0xC800;
	[dreg:$0x9] =	wrdreg s25;
	s23 =	simm.s32 $0x2  }
0xe: {  	s24 =	simm.s32 $0x200;
	[dreg:$0xa] =	wrdreg s26;
	s7 =	smul.u32 $0x320000, s5  }
0xf: {  	s25 =	simm.s32 $0x280;
	s8 =	sshrl.u32 s6, $0x1;
	s5 =	smul.u32 $0x6400, s5  }
0x10: {  	s26 =	simm.s32 $0x3;
	s6 =	ssub.s32 s6, s8;
	s11 =	sadd.s32 s9, s13  }
0x11: {  	s13 =	simm.s32 $0x4;
	s7 =	sshrl.u32 s7, $0x3;
	s5 =	sshrl.u32 s5, $0x3  }
0x12: {  	s12 =	sadd.s32 $0x400, s11;
	s10 =	smax.u32 s6, $0x1;
	s7 =	sadd.s32 s0, s7  }
0x13: {  	s5 =	sadd.s32 s3, s5;
	s18 =	sshll.u32 s12, $0x4;
	s19 =	sshrl.u32 s12, $0x3  }
0x14: {  	[dreg:$0xb] =	wrdreg s5;
	s14 =	sadd.s32 $0x60000, s7;
	s16 =	sadd.s32 $0x61000, s7  }
0x15: {  	s17 =	sadd.s32 $0x62000, s7;
	s5 =	sadd.s32 s15, s0;
	s9 =	sadd.s32 $0x63000, s7  }
0x16: {  	s0 =	sadd.s32 s18, s0;
	s12 =	sadd.s32 s19, s3;
	[dreg:$0xc] =	wrdreg s14  }
0x17: {  	s15 =	simm.s32 $0x80;
	s18 =	simm.s32 $0x1;
	[dreg:$0xd] =	wrdreg s16  }
0x18: {  	s19 =	simm.s32 $0x100;
	[dreg:$0xe] =	wrdreg s17;
	s1 =	sadd.s32 s1, s5  }
0x19: {  	s5 =	sadd.s32 $0x800, s11;
	[dreg:$0x3] =	wrdreg s0;
	s14 =	simm.s32 $0x400  }
0x1a: {  	s16 =	simm.s32 $0x800;
	s17 =	simm.s32 $0x4800;
	[dreg:$0x2] =	wrdreg s1  }
.LBB2_1:
0x1b: {  	s0 =	rddreg [dreg:$0xb]  }
0x1c: {  	[tilespmem:s2], [sflag:$0x4] =	stream.linear.gather [hbm4b:s0+s2], $0x400, $0x38;
	[tilespmem:$0x10800] =	vst v63  }
0x1d: {  	_ =	swait.ge [sflag:s13], $0x400  }
0x1e: {  	p0 =	por $0x1, $0x1;
	[sflag:s13] =	ssyncset.done $0x0  }
0x1f: {  	s0 =	simm.s32 @!p0 $0x2;
	[sflag:s13] =	ssyncadd.s32 $0xFFFFFC00  }
0x20: {  	[tilespmem:s14], [sflag:$0x5] =	stream.linear.gather [hbm4b:s12+s2], $0x400, $0x38;
	[tilespmem:$0x10800] =	vst v63  }
0x21: {  	_ =	swait.ge @!p0 [sflag:s0], $0x8000  }
0x22: {  	[sflag:s0] =	ssyncset.done @!p0 $0x0  }
0x23: {  	[sflag:s0] =	ssyncadd.s32 @!p0 $0xFFFF8000  }
0x24: {  	[tilespmem:s16], [sflag:$0x1] =	stream.indirect.gather [hbm4b:s4+s15], $0x80, s2, s15, $0xb8;
	[tilespmem:$0x10800] =	vst v63  }
0x25: {  	_ = 	snop  }
0x26: {  	[tilespmem:s17], [sflag:$0x1] =	stream.indirect.gather [hbm4b:s4+s15], $0x80, s15, s15, $0xb8;
	[tilespmem:$0x10800] =	vst v63  }
0x27: {  	_ =	swait.ge [sflag:s18], $0x4000  }
0x28: {  	[sflag:s18] =	ssyncset.done $0x0  }
0x29: {  	[sflag:s18] =	ssyncadd.s32 $0xFFFFC000  }
0x2a: {  	_ =	swait.ge [sflag:s18], $0x4000  }
0x2b: {  	s7 =	rddreg [dreg:$0x2];
	[sflag:s18] =	ssyncset.done $0x0  }
0x2c: {  	s1 =	simm.s32 @!p0 $0x3;
	[sflag:s18] =	ssyncadd.s32 $0xFFFFC000;
	s0 =	sadd.s32 $0x0, s7  }
0x2d: {  	[hbm4b:s0+s2] =	stream.linear.scatter [tilespmem:s16], [sflag:$0x2], $0x8000, $0x38;
	[tilespmem:$0x10800] =	vst v63  }
0x2e: {  	_ =	swait.ge @!p0 [sflag:s1], $0x8000  }
0x2f: {  	[sflag:s1] =	ssyncset.done @!p0 $0x0  }
0x30: {  	[sflag:s1] =	ssyncadd.s32 @!p0 $0xFFFF8000  }
0x31: {  	[tilespmem:s20], [sflag:$0x1] =	stream.indirect.gather [hbm4b:s4+s15], $0x80, s19, s15, $0xb8;
	[tilespmem:$0x10800] =	vst v63  }
0x32: {  	_ = 	snop  }
0x33: {  	[tilespmem:s22], [sflag:$0x1] =	stream.indirect.gather [hbm4b:s4+s15], $0x80, s21, s15, $0xb8;
	[tilespmem:$0x10800] =	vst v63  }
0x34: {  	_ =	swait.ge [sflag:s18], $0x4000  }
0x35: {  	[sflag:s18] =	ssyncset.done $0x0  }
0x36: {  	[sflag:s18] =	ssyncadd.s32 $0xFFFFC000  }
0x37: {  	_ =	swait.ge [sflag:s18], $0x4000  }
0x38: {  	[sflag:s18] =	ssyncset.done $0x0  }
0x39: {  	s8 =	sadd.s32 $0x1000, s0;
	[sflag:s18] =	ssyncadd.s32 $0xFFFFC000  }
0x3a: {  	[hbm4b:s8+s2] =	stream.linear.scatter [tilespmem:s20], [sflag:$0x3], $0x8000, $0x38;
	[tilespmem:$0x10800] =	vst v63  }
0x3b: {  	_ =	swait.ge [sflag:s23], $0x8000  }
0x3c: {  	[sflag:s23] =	ssyncset.done $0x0  }
0x3d: {  	[sflag:s23] =	ssyncadd.s32 $0xFFFF8000  }
0x3e: {  	[tilespmem:s16], [sflag:$0x1] =	stream.indirect.gather [hbm4b:s4+s15], $0x80, s24, s15, $0xb8;
	[tilespmem:$0x10800] =	vst v63  }
0x3f: {  	_ = 	snop  }
0x40: {  	[tilespmem:s17], [sflag:$0x1] =	stream.indirect.gather [hbm4b:s4+s15], $0x80, s25, s15, $0xb8;
	[tilespmem:$0x10800] =	vst v63  }
0x41: {  	_ =	swait.ge [sflag:s18], $0x4000  }
0x42: {  	[sflag:s18] =	ssyncset.done $0x0  }
0x43: {  	[sflag:s18] =	ssyncadd.s32 $0xFFFFC000  }
0x44: {  	_ =	swait.ge [sflag:s18], $0x4000  }
0x45: {  	[sflag:s18] =	ssyncset.done $0x0  }
0x46: {  	s11 =	sadd.s32 $0x2000, s0;
	[sflag:s18] =	ssyncadd.s32 $0xFFFFC000  }
0x47: {  	[hbm4b:s11+s2] =	stream.linear.scatter [tilespmem:s16], [sflag:$0x2], $0x8000, $0x38;
	[tilespmem:$0x10800] =	vst v63  }
0x48: {  	_ =	swait.ge [sflag:s26], $0x8000  }
0x49: {  	[sflag:s26] =	ssyncset.done $0x0  }
0x4a: {  	[sflag:s26] =	ssyncadd.s32 $0xFFFF8000  }
0x4b: {  	[tilespmem:s20], [sflag:$0x1] =	stream.indirect.gather [hbm4b:s4+s15], $0x80, s28, s15, $0xb8;
	[tilespmem:$0x10800] =	vst v63  }
0x4c: {  	_ = 	snop  }
0x4d: {  	[tilespmem:s22], [sflag:$0x1] =	stream.indirect.gather [hbm4b:s4+s15], $0x80, s29, s15, $0xb8;
	[tilespmem:$0x10800] =	vst v63  }
0x4e: {  	_ =	swait.ge [sflag:s18], $0x4000  }
0x4f: {  	[sflag:s18] =	ssyncset.done $0x0  }
0x50: {  	[sflag:s18] =	ssyncadd.s32 $0xFFFFC000  }
0x51: {  	_ =	swait.ge [sflag:s18], $0x4000  }
0x52: {  	[sflag:s18] =	ssyncset.done $0x0  }
0x53: {  	s0 =	sadd.s32 $0x3000, s0;
	[sflag:s18] =	ssyncadd.s32 $0xFFFFC000  }
0x54: {  	[hbm4b:s0+s2] =	stream.linear.scatter [tilespmem:s20], [sflag:$0x3], $0x8000, $0x38;
	[tilespmem:$0x10800] =	vst v63  }
0x55: {  	_ =	swait.ge [sflag:s30], $0x400  }
0x56: {  	s6 =	sshrl.u32 s5, $0x3;
	[sflag:s30] =	ssyncset.done $0x0  }
0x57: {  	s0 =	sadd.s32 s3, s6;
	[sflag:s30] =	ssyncadd.s32 $0xFFFFFC00  }
0x58: {  	[tilespmem:s2], [sflag:$0x4] =	stream.linear.gather [hbm4b:s0+s2], $0x400, $0x38;
	[tilespmem:$0x10800] =	vst v63  }
0x59: {  	_ =	swait.ge [sflag:s23], $0x8000  }
0x5a: {  	[sflag:s23] =	ssyncset.done $0x0  }
0x5b: {  	[sflag:s23] =	ssyncadd.s32 $0xFFFF8000  }
0x5c: {  	[tilespmem:s16], [sflag:$0x1] =	stream.indirect.gather [hbm4b:s4+s15], $0x80, s14, s15, $0xb8;
	[tilespmem:$0x10800] =	vst v63  }
0x5d: {  	s7 =	rddreg [dreg:$0x4]  }
0x5e: {  	[tilespmem:s17], [sflag:$0x1] =	stream.indirect.gather [hbm4b:s4+s15], $0x80, s7, s15, $0xb8;
	[tilespmem:$0x10800] =	vst v63  }
0x5f: {  	_ =	swait.ge [sflag:s18], $0x4000  }
0x60: {  	[sflag:s18] =	ssyncset.done $0x0  }
0x61: {  	[sflag:s18] =	ssyncadd.s32 $0xFFFFC000  }
0x62: {  	_ =	swait.ge [sflag:s18], $0x4000  }
0x63: {  	s8 =	rddreg [dreg:$0x3];
	[sflag:s18] =	ssyncset.done $0x0  }
0x64: {  	[sflag:s18] =	ssyncadd.s32 $0xFFFFC000;
	s1 =	sadd.s32 $0x0, s8  }
0x65: {  	[hbm4b:s1+s2] =	stream.linear.scatter [tilespmem:s16], [sflag:$0x2], $0x8000, $0x38;
	[tilespmem:$0x10800] =	vst v63  }
0x66: {  	_ =	swait.ge [sflag:s26], $0x8000  }
0x67: {  	[sflag:s26] =	ssyncset.done $0x0  }
0x68: {  	s11 =	rddreg [dreg:$0x5];
	[sflag:s26] =	ssyncadd.s32 $0xFFFF8000  }
0x69: {  	[tilespmem:s20], [sflag:$0x1] =	stream.indirect.gather [hbm4b:s4+s15], $0x80, s11, s15, $0xb8;
	[tilespmem:$0x10800] =	vst v63  }
0x6a: {  	s6 =	rddreg [dreg:$0x6]  }
0x6b: {  	[tilespmem:s22], [sflag:$0x1] =	stream.indirect.gather [hbm4b:s4+s15], $0x80, s6, s15, $0xb8;
	[tilespmem:$0x10800] =	vst v63  }
0x6c: {  	_ =	swait.ge [sflag:s18], $0x4000  }
0x6d: {  	[sflag:s18] =	ssyncset.done $0x0  }
0x6e: {  	[sflag:s18] =	ssyncadd.s32 $0xFFFFC000  }
0x6f: {  	_ =	swait.ge [sflag:s18], $0x4000  }
0x70: {  	[sflag:s18] =	ssyncset.done $0x0  }
0x71: {  	s7 =	sadd.s32 $0x1000, s1;
	[sflag:s18] =	ssyncadd.s32 $0xFFFFC000  }
0x72: {  	[hbm4b:s7+s2] =	stream.linear.scatter [tilespmem:s20], [sflag:$0x3], $0x8000, $0x38;
	[tilespmem:$0x10800] =	vst v63  }
0x73: {  	_ =	swait.ge [sflag:s23], $0x8000  }
0x74: {  	[sflag:s23] =	ssyncset.done $0x0  }
0x75: {  	s8 =	rddreg [dreg:$0x7];
	[sflag:s23] =	ssyncadd.s32 $0xFFFF8000  }
0x76: {  	[tilespmem:s16], [sflag:$0x1] =	stream.indirect.gather [hbm4b:s4+s15], $0x80, s8, s15, $0xb8;
	[tilespmem:$0x10800] =	vst v63  }
0x77: {  	s11 =	rddreg [dreg:$0x8]  }
0x78: {  	[tilespmem:s17], [sflag:$0x1] =	stream.indirect.gather [hbm4b:s4+s15], $0x80, s11, s15, $0xb8;
	[tilespmem:$0x10800] =	vst v63  }
0x79: {  	_ =	swait.ge [sflag:s18], $0x4000  }
0x7a: {  	[sflag:s18] =	ssyncset.done $0x0  }
0x7b: {  	[sflag:s18] =	ssyncadd.s32 $0xFFFFC000  }
0x7c: {  	_ =	swait.ge [sflag:s18], $0x4000  }
0x7d: {  	[sflag:s18] =	ssyncset.done $0x0  }
0x7e: {  	s7 =	sadd.s32 $0x2000, s1;
	[sflag:s18] =	ssyncadd.s32 $0xFFFFC000  }
0x7f: {  	[hbm4b:s7+s2] =	stream.linear.scatter [tilespmem:s16], [sflag:$0x2], $0x8000, $0x38;
	[tilespmem:$0x10800] =	vst v63  }
0x80: {  	_ =	swait.ge [sflag:s26], $0x8000  }
0x81: {  	[sflag:s26] =	ssyncset.done $0x0  }
0x82: {  	s8 =	rddreg [dreg:$0x9];
	[sflag:s26] =	ssyncadd.s32 $0xFFFF8000  }
0x83: {  	[tilespmem:s20], [sflag:$0x1] =	stream.indirect.gather [hbm4b:s4+s15], $0x80, s8, s15, $0xb8;
	[tilespmem:$0x10800] =	vst v63  }
0x84: {  	s11 =	rddreg [dreg:$0xa]  }
0x85: {  	[tilespmem:s22], [sflag:$0x1] =	stream.indirect.gather [hbm4b:s4+s15], $0x80, s11, s15, $0xb8;
	[tilespmem:$0x10800] =	vst v63  }
0x86: {  	_ =	swait.ge [sflag:s18], $0x4000  }
0x87: {  	[sflag:s18] =	ssyncset.done $0x0  }
0x88: {  	[sflag:s18] =	ssyncadd.s32 $0xFFFFC000  }
0x89: {  	s0 =	simm.s32 $0x8000;
	s7 =	sadd.s32 $0x3000, s1;
	_ =	swait.ge [sflag:s18], $0x4000  }
0x8a: {  	s1 =	sadd.s32 $0x100, s12;
	s11 =	smov.u32 s5;
	[sflag:s18] =	ssyncset.done $0x0  }
.LBB2_2:
0x8b: {  	[sflag:s18] =	ssyncadd.s32 $0xFFFFC000  }
0x8c: {  	[hbm4b:s7+s2] =	stream.linear.scatter [tilespmem:s20], [sflag:$0x3], $0x8000, $0x38;
	[tilespmem:$0x10800] =	vst v63  }
0x8d: {  	s6 =	smov.u32 s0;
	_ =	swait.ge [sflag:s13], $0x400  }
0x8e: {  	p1 =	seq.s32 s6, $0x0;
	[sflag:s13] =	ssyncset.done $0x0  }
0x8f: {  	s7 =	simm.s32 @!p1 $0x2;
	[sflag:s13] =	ssyncadd.s32 $0xFFFFFC00  }
0x90: {  	[tilespmem:s14], [sflag:$0x5] =	stream.linear.gather [hbm4b:s1+s2], $0x400, $0x38;
	[tilespmem:$0x10800] =	vst v63  }
0x91: {  	_ =	swait.ge @!p1 [sflag:s7], $0x8000  }
0x92: {  	[sflag:s7] =	ssyncset.done @!p1 $0x0  }
0x93: {  	[sflag:s7] =	ssyncadd.s32 @!p1 $0xFFFF8000  }
0x94: {  	[tilespmem:s16], [sflag:$0x1] =	stream.indirect.gather [hbm4b:s4+s15], $0x80, s2, s15, $0xb8;
	[tilespmem:$0x10800] =	vst v63  }
0x95: {  	_ = 	snop  }
0x96: {  	[tilespmem:s17], [sflag:$0x1] =	stream.indirect.gather [hbm4b:s4+s15], $0x80, s15, s15, $0xb8;
	[tilespmem:$0x10800] =	vst v63  }
0x97: {  	_ =	swait.ge [sflag:s18], $0x4000  }
0x98: {  	[sflag:s18] =	ssyncset.done $0x0  }
0x99: {  	[sflag:s18] =	ssyncadd.s32 $0xFFFFC000  }
0x9a: {  	_ =	swait.ge [sflag:s18], $0x4000  }
0x9b: {  	s8 =	rddreg [dreg:$0x2];
	[sflag:s18] =	ssyncset.done $0x0  }
0x9c: {  	[sflag:s18] =	ssyncadd.s32 $0xFFFFC000;
	s7 =	sadd.s32 s6, s8;
	s8 =	simm.s32 @!p1 $0x3  }
0x9d: {  	[hbm4b:s7+s2] =	stream.linear.scatter [tilespmem:s16], [sflag:$0x2], $0x8000, $0x38;
	[tilespmem:$0x10800] =	vst v63  }
0x9e: {  	_ =	swait.ge @!p1 [sflag:s8], $0x8000  }
0x9f: {  	[sflag:s8] =	ssyncset.done @!p1 $0x0  }
0xa0: {  	[sflag:s8] =	ssyncadd.s32 @!p1 $0xFFFF8000  }
0xa1: {  	[tilespmem:s20], [sflag:$0x1] =	stream.indirect.gather [hbm4b:s4+s15], $0x80, s19, s15, $0xb8;
	[tilespmem:$0x10800] =	vst v63  }
0xa2: {  	_ = 	snop  }
0xa3: {  	[tilespmem:s22], [sflag:$0x1] =	stream.indirect.gather [hbm4b:s4+s15], $0x80, s21, s15, $0xb8;
	[tilespmem:$0x10800] =	vst v63  }
0xa4: {  	_ =	swait.ge [sflag:s18], $0x4000  }
0xa5: {  	[sflag:s18] =	ssyncset.done $0x0  }
0xa6: {  	[sflag:s18] =	ssyncadd.s32 $0xFFFFC000  }
0xa7: {  	_ =	swait.ge [sflag:s18], $0x4000  }
0xa8: {  	[sflag:s18] =	ssyncset.done $0x0  }
0xa9: {  	s8 =	sadd.s32 $0x1000, s7;
	[sflag:s18] =	ssyncadd.s32 $0xFFFFC000  }
0xaa: {  	[hbm4b:s8+s2] =	stream.linear.scatter [tilespmem:s20], [sflag:$0x3], $0x8000, $0x38;
	[tilespmem:$0x10800] =	vst v63  }
0xab: {  	_ =	swait.ge [sflag:s23], $0x8000  }
0xac: {  	[sflag:s23] =	ssyncset.done $0x0  }
0xad: {  	[sflag:s23] =	ssyncadd.s32 $0xFFFF8000  }
0xae: {  	[tilespmem:s16], [sflag:$0x1] =	stream.indirect.gather [hbm4b:s4+s15], $0x80, s24, s15, $0xb8;
	[tilespmem:$0x10800] =	vst v63  }
0xaf: {  	_ = 	snop  }
0xb0: {  	[tilespmem:s17], [sflag:$0x1] =	stream.indirect.gather [hbm4b:s4+s15], $0x80, s25, s15, $0xb8;
	[tilespmem:$0x10800] =	vst v63  }
0xb1: {  	_ =	swait.ge [sflag:s18], $0x4000  }
0xb2: {  	[sflag:s18] =	ssyncset.done $0x0  }
0xb3: {  	[sflag:s18] =	ssyncadd.s32 $0xFFFFC000  }
0xb4: {  	_ =	swait.ge [sflag:s18], $0x4000  }
0xb5: {  	[sflag:s18] =	ssyncset.done $0x0  }
0xb6: {  	s8 =	sadd.s32 $0x2000, s7;
	[sflag:s18] =	ssyncadd.s32 $0xFFFFC000  }
0xb7: {  	[hbm4b:s8+s2] =	stream.linear.scatter [tilespmem:s16], [sflag:$0x2], $0x8000, $0x38;
	[tilespmem:$0x10800] =	vst v63  }
0xb8: {  	_ =	swait.ge [sflag:s26], $0x8000  }
0xb9: {  	[sflag:s26] =	ssyncset.done $0x0  }
0xba: {  	[sflag:s26] =	ssyncadd.s32 $0xFFFF8000  }
0xbb: {  	[tilespmem:s20], [sflag:$0x1] =	stream.indirect.gather [hbm4b:s4+s15], $0x80, s28, s15, $0xb8;
	[tilespmem:$0x10800] =	vst v63  }
0xbc: {  	_ = 	snop  }
0xbd: {  	[tilespmem:s22], [sflag:$0x1] =	stream.indirect.gather [hbm4b:s4+s15], $0x80, s29, s15, $0xb8;
	[tilespmem:$0x10800] =	vst v63  }
0xbe: {  	_ =	swait.ge [sflag:s18], $0x4000  }
0xbf: {  	[sflag:s18] =	ssyncset.done $0x0  }
0xc0: {  	[sflag:s18] =	ssyncadd.s32 $0xFFFFC000  }
0xc1: {  	_ =	swait.ge [sflag:s18], $0x4000  }
0xc2: {  	[sflag:s18] =	ssyncset.done $0x0  }
0xc3: {  	s7 =	sadd.s32 $0x3000, s7;
	[sflag:s18] =	ssyncadd.s32 $0xFFFFC000  }
0xc4: {  	[hbm4b:s7+s2] =	stream.linear.scatter [tilespmem:s20], [sflag:$0x3], $0x8000, $0x38;
	[tilespmem:$0x10800] =	vst v63  }
0xc5: {  	s11 =	sadd.s32 $0x800, s11;
	_ =	swait.ge [sflag:s30], $0x400  }
0xc6: {  	s8 =	sshrl.u32 s11, $0x3;
	[sflag:s30] =	ssyncset.done $0x0  }
0xc7: {  	s7 =	sadd.s32 s3, s8;
	[sflag:s30] =	ssyncadd.s32 $0xFFFFFC00  }
0xc8: {  	[tilespmem:s2], [sflag:$0x4] =	stream.linear.gather [hbm4b:s7+s2], $0x400, $0x38;
	[tilespmem:$0x10800] =	vst v63  }
0xc9: {  	_ =	swait.ge [sflag:s23], $0x8000  }
0xca: {  	[sflag:s23] =	ssyncset.done $0x0  }
0xcb: {  	[sflag:s23] =	ssyncadd.s32 $0xFFFF8000  }
0xcc: {  	[tilespmem:s16], [sflag:$0x1] =	stream.indirect.gather [hbm4b:s4+s15], $0x80, s14, s15, $0xb8;
	[tilespmem:$0x10800] =	vst v63  }
0xcd: {  	s8 =	rddreg [dreg:$0x4]  }
0xce: {  	[tilespmem:s17], [sflag:$0x1] =	stream.indirect.gather [hbm4b:s4+s15], $0x80, s8, s15, $0xb8;
	[tilespmem:$0x10800] =	vst v63  }
0xcf: {  	_ =	swait.ge [sflag:s18], $0x4000  }
0xd0: {  	[sflag:s18] =	ssyncset.done $0x0  }
0xd1: {  	[sflag:s18] =	ssyncadd.s32 $0xFFFFC000  }
0xd2: {  	_ =	swait.ge [sflag:s18], $0x4000  }
0xd3: {  	s8 =	rddreg [dreg:$0x3];
	[sflag:s18] =	ssyncset.done $0x0  }
0xd4: {  	[sflag:s18] =	ssyncadd.s32 $0xFFFFC000;
	s6 =	sadd.s32 s6, s8  }
0xd5: {  	[hbm4b:s6+s2] =	stream.linear.scatter [tilespmem:s16], [sflag:$0x2], $0x8000, $0x38;
	[tilespmem:$0x10800] =	vst v63  }
0xd6: {  	_ =	swait.ge [sflag:s26], $0x8000  }
0xd7: {  	[sflag:s26] =	ssyncset.done $0x0  }
0xd8: {  	s7 =	rddreg [dreg:$0x5];
	[sflag:s26] =	ssyncadd.s32 $0xFFFF8000  }
0xd9: {  	[tilespmem:s20], [sflag:$0x1] =	stream.indirect.gather [hbm4b:s4+s15], $0x80, s7, s15, $0xb8;
	[tilespmem:$0x10800] =	vst v63  }
0xda: {  	s8 =	rddreg [dreg:$0x6]  }
0xdb: {  	[tilespmem:s22], [sflag:$0x1] =	stream.indirect.gather [hbm4b:s4+s15], $0x80, s8, s15, $0xb8;
	[tilespmem:$0x10800] =	vst v63  }
0xdc: {  	_ =	swait.ge [sflag:s18], $0x4000  }
0xdd: {  	[sflag:s18] =	ssyncset.done $0x0  }
0xde: {  	[sflag:s18] =	ssyncadd.s32 $0xFFFFC000  }
0xdf: {  	_ =	swait.ge [sflag:s18], $0x4000  }
0xe0: {  	[sflag:s18] =	ssyncset.done $0x0  }
0xe1: {  	s8 =	sadd.s32 $0x1000, s6;
	[sflag:s18] =	ssyncadd.s32 $0xFFFFC000  }
0xe2: {  	[hbm4b:s8+s2] =	stream.linear.scatter [tilespmem:s20], [sflag:$0x3], $0x8000, $0x38;
	[tilespmem:$0x10800] =	vst v63  }
0xe3: {  	_ =	swait.ge [sflag:s23], $0x8000  }
0xe4: {  	[sflag:s23] =	ssyncset.done $0x0  }
0xe5: {  	s7 =	rddreg [dreg:$0x7];
	[sflag:s23] =	ssyncadd.s32 $0xFFFF8000  }
0xe6: {  	[tilespmem:s16], [sflag:$0x1] =	stream.indirect.gather [hbm4b:s4+s15], $0x80, s7, s15, $0xb8;
	[tilespmem:$0x10800] =	vst v63  }
0xe7: {  	s8 =	rddreg [dreg:$0x8]  }
0xe8: {  	[tilespmem:s17], [sflag:$0x1] =	stream.indirect.gather [hbm4b:s4+s15], $0x80, s8, s15, $0xb8;
	[tilespmem:$0x10800] =	vst v63  }
0xe9: {  	_ =	swait.ge [sflag:s18], $0x4000  }
0xea: {  	[sflag:s18] =	ssyncset.done $0x0  }
0xeb: {  	[sflag:s18] =	ssyncadd.s32 $0xFFFFC000  }
0xec: {  	_ =	swait.ge [sflag:s18], $0x4000  }
0xed: {  	[sflag:s18] =	ssyncset.done $0x0  }
0xee: {  	s8 =	sadd.s32 $0x2000, s6;
	[sflag:s18] =	ssyncadd.s32 $0xFFFFC000  }
0xef: {  	[hbm4b:s8+s2] =	stream.linear.scatter [tilespmem:s16], [sflag:$0x2], $0x8000, $0x38;
	[tilespmem:$0x10800] =	vst v63  }
0xf0: {  	_ =	swait.ge [sflag:s26], $0x8000  }
0xf1: {  	[sflag:s26] =	ssyncset.done $0x0  }
0xf2: {  	s0 =	sadd.s32 $0x8000, s0;
	s7 =	rddreg [dreg:$0x9];
	[sflag:s26] =	ssyncadd.s32 $0xFFFF8000  }
0xf3: {  	[tilespmem:s20], [sflag:$0x1] =	stream.indirect.gather [hbm4b:s4+s15], $0x80, s7, s15, $0xb8;
	[tilespmem:$0x10800] =	vst v63  }
0xf4: {  	p0 =	sne.s32 s0, $0x60000;
	s8 =	rddreg [dreg:$0xa]  }
0xf5: {  	[tilespmem:s22], [sflag:$0x1] =	stream.indirect.gather [hbm4b:s4+s15], $0x80, s8, s15, $0xb8;
	[tilespmem:$0x10800] =	vst v63  }
.Ltmp0:
0xf6: {  	_ =	swait.ge [sflag:s18], $0x4000;
	(pc) =	sbr.rel @p0 .LBB2_2-.Ltmp0, $4  }
0xf7: {  	[sflag:s18] =	ssyncset.done $0x0  }
0xf8: {  	[sflag:s18] =	ssyncadd.s32 $0xFFFFC000  }
0xf9: {  	_ =	swait.ge [sflag:s18], $0x4000  }
0xfa: {  	s1 =	sadd.s32 $0x100, s1;
	s7 =	sadd.s32 $0x3000, s6;
	[sflag:s18] =	ssyncset.done $0x0  }
0xfb: {  	[sflag:s18] =	ssyncadd.s32 $0xFFFFC000  }
0xfc: {  	[hbm4b:s7+s2] =	stream.linear.scatter [tilespmem:s20], [sflag:$0x3], $0x8000, $0x38;
	[tilespmem:$0x10800] =	vst v63  }
0xfd: {  	_ =	swait.ge [sflag:s13], $0x400  }
0xfe: {  	[sflag:s13] =	ssyncset.done $0x0  }
0xff: {  	[sflag:s13] =	ssyncadd.s32 $0xFFFFFC00  }
0x100: {  	_ =	swait.ge [sflag:s23], $0x8000  }
0x101: {  	[sflag:s23] =	ssyncset.done $0x0  }
0x102: {  	[sflag:s23] =	ssyncadd.s32 $0xFFFF8000  }
0x103: {  	[tilespmem:s16], [sflag:$0x1] =	stream.indirect.gather [hbm4b:s4+s15], $0x80, s2, s15, $0xb8;
	[tilespmem:$0x10800] =	vst v63  }
0x104: {  	_ = 	snop  }
0x105: {  	[tilespmem:s17], [sflag:$0x1] =	stream.indirect.gather [hbm4b:s4+s15], $0x80, s15, s15, $0xb8;
	[tilespmem:$0x10800] =	vst v63  }
0x106: {  	_ =	swait.ge [sflag:s18], $0x4000  }
0x107: {  	[sflag:s18] =	ssyncset.done $0x0  }
0x108: {  	[sflag:s18] =	ssyncadd.s32 $0xFFFFC000  }
0x109: {  	_ =	swait.ge [sflag:s18], $0x4000  }
0x10a: {  	[sflag:s18] =	ssyncset.done $0x0  }
0x10b: {  	s0 =	rddreg [dreg:$0xc];
	[sflag:s18] =	ssyncadd.s32 $0xFFFFC000  }
0x10c: {  	[hbm4b:s0+s2] =	stream.linear.scatter [tilespmem:s16], [sflag:$0x2], $0x8000, $0x38;
	[tilespmem:$0x10800] =	vst v63  }
0x10d: {  	_ =	swait.ge [sflag:s26], $0x8000  }
0x10e: {  	[sflag:s26] =	ssyncset.done $0x0  }
0x10f: {  	[sflag:s26] =	ssyncadd.s32 $0xFFFF8000  }
0x110: {  	[tilespmem:s20], [sflag:$0x1] =	stream.indirect.gather [hbm4b:s4+s15], $0x80, s19, s15, $0xb8;
	[tilespmem:$0x10800] =	vst v63  }
0x111: {  	_ = 	snop  }
0x112: {  	[tilespmem:s22], [sflag:$0x1] =	stream.indirect.gather [hbm4b:s4+s15], $0x80, s21, s15, $0xb8;
	[tilespmem:$0x10800] =	vst v63  }
0x113: {  	_ =	swait.ge [sflag:s18], $0x4000  }
0x114: {  	[sflag:s18] =	ssyncset.done $0x0  }
0x115: {  	[sflag:s18] =	ssyncadd.s32 $0xFFFFC000  }
0x116: {  	_ =	swait.ge [sflag:s18], $0x4000  }
0x117: {  	[sflag:s18] =	ssyncset.done $0x0  }
0x118: {  	s8 =	rddreg [dreg:$0xd];
	[sflag:s18] =	ssyncadd.s32 $0xFFFFC000  }
0x119: {  	[hbm4b:s8+s2] =	stream.linear.scatter [tilespmem:s20], [sflag:$0x3], $0x8000, $0x38;
	[tilespmem:$0x10800] =	vst v63  }
0x11a: {  	_ =	swait.ge [sflag:s23], $0x8000  }
0x11b: {  	[sflag:s23] =	ssyncset.done $0x0  }
0x11c: {  	[sflag:s23] =	ssyncadd.s32 $0xFFFF8000  }
0x11d: {  	[tilespmem:s16], [sflag:$0x1] =	stream.indirect.gather [hbm4b:s4+s15], $0x80, s24, s15, $0xb8;
	[tilespmem:$0x10800] =	vst v63  }
0x11e: {  	_ = 	snop  }
0x11f: {  	[tilespmem:s17], [sflag:$0x1] =	stream.indirect.gather [hbm4b:s4+s15], $0x80, s25, s15, $0xb8;
	[tilespmem:$0x10800] =	vst v63  }
0x120: {  	_ =	swait.ge [sflag:s18], $0x4000  }
0x121: {  	[sflag:s18] =	ssyncset.done $0x0  }
0x122: {  	[sflag:s18] =	ssyncadd.s32 $0xFFFFC000  }
0x123: {  	_ =	swait.ge [sflag:s18], $0x4000  }
0x124: {  	[sflag:s18] =	ssyncset.done $0x0  }
0x125: {  	s11 =	rddreg [dreg:$0xe];
	[sflag:s18] =	ssyncadd.s32 $0xFFFFC000  }
0x126: {  	[hbm4b:s11+s2] =	stream.linear.scatter [tilespmem:s16], [sflag:$0x2], $0x8000, $0x38;
	[tilespmem:$0x10800] =	vst v63  }
0x127: {  	_ =	swait.ge [sflag:s26], $0x8000  }
0x128: {  	[sflag:s26] =	ssyncset.done $0x0  }
0x129: {  	[sflag:s26] =	ssyncadd.s32 $0xFFFF8000  }
0x12a: {  	[tilespmem:s20], [sflag:$0x1] =	stream.indirect.gather [hbm4b:s4+s15], $0x80, s28, s15, $0xb8;
	[tilespmem:$0x10800] =	vst v63  }
0x12b: {  	_ = 	snop  }
0x12c: {  	[tilespmem:s22], [sflag:$0x1] =	stream.indirect.gather [hbm4b:s4+s15], $0x80, s29, s15, $0xb8;
	[tilespmem:$0x10800] =	vst v63  }
0x12d: {  	_ =	swait.ge [sflag:s18], $0x4000  }
0x12e: {  	[sflag:s18] =	ssyncset.done $0x0  }
0x12f: {  	[sflag:s18] =	ssyncadd.s32 $0xFFFFC000  }
0x130: {  	_ =	swait.ge [sflag:s18], $0x4000  }
0x131: {  	[sflag:s18] =	ssyncset.done $0x0  }
0x132: {  	s31 =	sadd.s32 $0x1, s31;
	[sflag:s18] =	ssyncadd.s32 $0xFFFFC000  }
0x133: {  	[hbm4b:s9+s2] =	stream.linear.scatter [tilespmem:s20], [sflag:$0x3], $0x8000, $0x38;
	[tilespmem:$0x10800] =	vst v63  }
0x134: {  	p0 =	sne.s32 s31, s10;
	_ =	swait.ge [sflag:s23], $0x8000  }
.Ltmp1:
0x135: {  	[sflag:s23] =	ssyncset.done $0x0;
	(pc) =	sbr.rel @p0 .LBB2_1-.Ltmp1, $4  }
0x136: {  	[sflag:s23] =	ssyncadd.s32 $0xFFFF8000  }
0x137: {  	_ =	swait.ge [sflag:s26], $0x8000  }
0x138: {  	[sflag:s26] =	ssyncset.done $0x0  }
0x139: {  	[sflag:s26] =	ssyncadd.s32 $0xFFFF8000  }
0x13a: {  	_ =	sfence.sel $0x180000  }
0x13b: {  	[bflag:$0x0] =	sbarrier.arrive $0xFFFF  }
0x13c: {  	_ =	strace $0x90000047  }
0x13d: {  	s0 =	stileid.u32;
	[bflag:$0x2] =	sbarrier.arrive $0xFFFF  }
0x13e: {  	p0 =	sne.s32 s0, $0x0;
	s0 =	rddreg [dreg:$0x1]  }
0x13f: {  	s0 =	sadd.s32 @!p0 $0x100000, s0  }
0x140: {  	[sflag:s0] =	ssyncadd.tile.s32 @!p0 $0x1;
	_ =	shalt  }
.Lfunc_end2:
_tile_overlayer_lowered:
.L_overlay_start_2:
0x141: {  	(tag) =	ssettag $0x2  }
0x142: {  	s0 =	rddreg [dreg:$0x0];
	s2 =	stileid.u32  }
0x143: {  	s1 =	rddreg [dreg:$0x1];
	p0 =	sne.s32 s2, $0x0  }
0x144: {  	s3 =	rddreg [dreg:$0x2];
	[bflag:$0x3] =	sbarrier.arrive $0xFFFF;
	s2 =	simm.s32 @!p0 $0x1C06  }
0x145: {  	[timem:s3], [sflag:s2] =	dma.local @!p0 [hbm:s0], s1  }
0x146: {  	s0 =	simm.s32 @!p0 $0x6  }
0x147: {  	_ =	swait.ge @!p0 [sflag:s0], s1  }
0x148: {  	s1 =	ssub.s32 @!p0 $0x0, s1;
	[sflag:s0] =	ssyncset.done @!p0 $0x0  }
0x149: {  	[sflag:s0] =	ssyncadd.s32 @!p0 s1  }
0x14a: {  	[bflag:$0x3] =	sbarrier.arrive $0xFFFF  }
0x14b: {  	_ =	shalt  }

// kernel: sparse-core-data-format-call.cloned.1.call-start
scs
called_computation_lowered:
.L_overlay_start_0:
0x0: {  	s2 =	sld [smem:$0x3FD9]  }
0x1: {  	s3 =	sld [smem:$0x3FFE];
	_ =	sdelay $0x1  }
0x2: {  	s1 =	srdreg.scid  }
0x3: {  	s0 =	sand.u32 $0x1, s1  }
0x4: {  	s18 =	sshll.u32 s0, $0xA;
	s2 =	sadd.s32 s3, s2  }
0x5: {  	s2 =	sadd.s32 s2, s18  }
0x6: {  	[smem:$0x3FC6] =	sst s2  }
0x7: {  	_ = 	snop  }
0x8: {  	s2 =	sld [smem:$0x3FD0];
	(tm) =	ssettm $0x1  }
0x9: {  	s19 =	sld [smem:$0x3FFB];
	_ =	sdelay $0x3  }
0xa: {  	_ =	strace s19  }
0xb: {  	s3 =	sld [smem:$0x3FFC];
	_ =	sdelay $0x3  }
0xc: {  	_ =	strace s3  }
0xd: {  	s3 =	sld [smem:$0x3FFD];
	_ =	sdelay $0x3  }
0xe: {  	_ =	strace s3  }
0xf: {  	_ =	strace $0x8FFFFFFF  }
0x10: {  	s20 =	sld [smem:$0x3FDB];
	_ =	sdelay $0x1  }
0x11: {  	s4 =	simm.s32 $_scs_section_size  }
0x12: {  	s5 =	simm.s32 $_size__tile_overlayer_lowered;
	s6 =	simm.s32 $_tile_overlayer_lowered  }
0x13: {  	s23 =	simm.s32 $0x1BFF;
	s22 =	sshll.u32 s6, $0x1;
	s3 =	sadd.s32 s4, s20  }
0x14: {  	s7 =	simm.s32 $0x0;
	s21 =	sshll.u32 s5, $0x1;
	s5 =	sadd.s32 s22, s3  }
0x15: {  	[timem:s7], [sflag:s23] =	dma.local [hbm:s5], s21  }
0x16: {  	_ =	swait.ge [sflag:s23], s21  }
0x17: {  	s4 =	ssub.s32 $0x0, s21;
	[sflag:s23] =	ssyncset.done $0x0  }
0x18: {  	[sflag:s23] =	ssyncadd.s32 s4;
	_ =	sdelay $0x1  }
0x19: {  	s24 =	simm.s32 $0x1B8B  }
0x1a: {  	_ =	swait.ge [sflag:s24], $0x1  }
0x1b: {  	[sflag:s24] =	ssyncset.done $0x0  }
0x1c: {  	s26 =	simm.s32 $0x1B8E;
	s25 =	sld [smem:$0x3FFE];
	[sflag:s24] =	ssyncadd.s32 $0xFFFFFFFF  }
0x1d: {  	s27 =	simm.s32 $execute0_lowered;
	[smem:$0x3FD2] =	sst s26  }
0x1e: {  	s5 =	sshll.u32 s27, $0x1;
	_ =	strace $0x80000049;
	[dreg:$0x1] =	wrdreg $0xFFFFFFFF  }
0x1f: {  	s28 =	simm.s32 $_size_execute0_lowered;
	s3 =	sadd.s32 s3, s5;
	[dreg:$0x0] =	wrdreg $0x0  }
0x20: {  	s5 =	sshll.u32 s28, $0x1;
	[dreg:$0x2] =	wrdreg s3  }
0x21: {  	[dreg:$0x3] =	wrdreg s5  }
0x22: {  	[dreg:$0x4] =	wrdreg $0xC0  }
0x23: {  	_ =	task [dreg:s7], $0x5FFFF  }
0x24: {  	[dreg:$0x1] =	wrdreg $0xFFFFFFFF  }
0x25: {  	[dreg:$0x0] =	wrdreg $0x60  }
0x26: {  	[dreg:$0x2] =	wrdreg s25  }
0x27: {  	[dreg:$0x3] =	wrdreg s2  }
0x28: {  	[dreg:$0x4] =	wrdreg $0x9  }
0x29: {  	_ =	task.clear_ibuf [dreg:s7], $0x5FFFF;
	_ =	strace $0x90000049  }
0x2a: {  	s29 =	simm.s32 $0x9;
	_ =	strace $0x8000004B  }
0x2b: {  	_ =	swait.ge [sflag:s29], $0x1  }
0x2c: {  	[sflag:s29] =	ssyncadd.s32 $0xFFFFFFFF  }
0x2d: {  	_ =	strace $0x9000004B  }
0x2e: {  	_ =	sfence  }
0x2f: {  	s30 =	sld [smem:$0x0];
	_ =	sdelay $0x2  }
0x30: {  	s31 =	sshll.u32 s1, $0xD;
	s1 =	sshrl.u32 s1, $0x2  }
0x31: {  	s3 =	sand.u32 $0x4000, s31;
	s1 =	sadd.s32 s1, s30  }
0x32: {  	s0 =	sor.u32 s3, s0;
	s1 =	sshll.u32 s1, $0x11  }
0x33: {  	s0 =	sor.u32 s1, s0  }
0x34: {  	s0 =	sadd.s32 $0x8F2B, s0  }
0x35: {  	[sflag:s0] =	ssyncadd.remote.s32 $0x1  }
0x36: {  	_ =	sfence.sel $0xFFFF  }
0x37: {  	[dreg:$0x0] =	wrdreg $0xFFFFFFFF;
	(pc) =	sbr.abs _section_cstart, $3  }
0x38: {  	[dreg:$0x1] =	wrdreg $0xFFFFFFFF  }
0x39: {  	_ =	task.clear_ibuf [dreg:s7], $0x2FFFF;
	_ =	strace $0x9FFFFFFF  }
0x3a: {  	(tm) =	ssettm $0x7FFFFFFF  }
0x3b: {  	_ =	shalt  }
tec
execute0_lowered:
.L_overlay_start_1:
0x0: {  	(tag) =	ssettag $0x1  }
0x1: {  	s0 =	srdreg.scid  }
0x2: {  	s1 =	sshll.u32 s0, $0x4  }
0x3: {  	s6 =	rddreg [dreg:$0x0];
	s0 =	stileid.u32;
	s1 =	sand.u32 $0x10, s1  }
0x4: {  	s3 =	rddreg [dreg:$0x1];
	s1 =	sor.u32 s0, s1  }
0x5: {  	s5 =	simm.s32 $0x1;
	s31 =	simm.s32 $0x2;
	s2 =	sshll.u32 s1, $0x7  }
0x6: {  	s15 =	simm.s32 $0x0;
	s8 =	simm.s32 $0xC8000;
	s4 =	ssub.s32 $0x1000, s2  }
0x7: {  	s14 =	simm.s32 $0x0;
	s9 =	simm.s32 $0x0;
	s30 =	sand.u32 $0xF80, s4  }
0x8: {  	s10 =	simm.s32 $0x0;
	s11 =	simm.s32 $0x0;
	p0 =	sne.s32 s30, $0x0  }
.Ltmp0:
0x9: {  	s7 =	sshrl.u32 s4, $0xC;
	s5 =	simm.s32 @!p0 $0x0;
	(pc) =	sbr.rel .LBB1_1-.Ltmp0, $4  }
0xa: {  	s13 =	simm.s32 $0x0;
	s1 =	rddreg [dreg:$0x2];
	s5 =	sadd.s32 s5, s7  }
0xb: {  	_ =	strace $0x8000004A;
	s4 =	simm.s32 $0x1;
	s5 =	smul.u32 $0xC8, s5  }
0xc: {  	s6 =	sadd.s32 $0x1A0400, s6;
	s12 =	smov.u32 s2;
	[sflag:s4] =	ssyncpa.u1 $0x0  }
0xd: {  	[sflag:s31] =	ssyncpa.u1 $0x0;
	p0 =	por $0x0, $0x0;
	s7 =	sor.u32 $0x1, s5  }
.LBB1_4:
0xe: {  	s20 =	sshra.s32 s20, $0x2;
	s27 =	sshll.u32 s9, $0xC  }
0xf: {  	s21 =	sand.u32 $0x78, s10;
	s22 =	sshll.u32 s10, $0x3;
	s24 =	sshll.u32 s9, $0x7  }
0x10: {  	p1 =	sgt.s32 s9, $0xC7;
	s30 =	sshra.s32 s9, $0x1F;
	s25 =	sshra.s32 s10, $0x1F  }
0x11: {  	s19 =	sadd.s32 s20, s19;
	s20 =	sand.u32 $0xFFFF8000, s27;
	s23 =	sand.u32 $0xFFFFFC00, s22  }
0x12: {  	v5 =	vld [tilespmem:s17+$0xFFFFFFD0];
	[tilespmem:s18+$0x2040 ss:$0x81] =	vst.msk $0xffff, v4;
	s22 =	sand.u32 $0xC00, s22;
	s28 =	sand.u32 $0x380, s24;
	s31 =	sand.u32 s30, s9  }
0x13: {  	v58 =	vld [tilespmem:s17+$0xFFFFFFE0];
	[tilespmem:s18+$0x2850 ss:$0x81] =	vst.msk $0xffff, v3;
	s24 =	smov.u32 s10;
	s25 =	sand.u32 s25, s10;
	s20 =	sadd.s32 s23, s20  }
0x14: {  	v59 =	vld [tilespmem:s17+$0xFFFFFFF0];
	[tilespmem:s18+$0x3060 ss:$0x81] =	vst.msk $0xffff, v2;
	s21 =	sor.u32 s21, s22;
	s22 =	smov.u32 s9;
	s20 =	sshrl.u32 s20, $0xC  }
0x15: {  	v60 =	vld [tilespmem:s17+$0x0];
	[tilespmem:s18+$0x0 ss:$0x81] =	vst.msk $0xffff, v1;
	s22 =	simm.s32 @!p1 $0xC7;
	p1 =	sgt.s32 s10, $0xF80;
	s29 =	smulhi.u32 $0x147AE15, s20  }
0x16: {  	v61 =	vld [tilespmem:s17+$0x10];
	[tilespmem:s19+$0x3870 ss:$0x81] =	vst.msk $0xffff, v0;
	s21 =	sor.u32 s28, s21;
	s18 =	ssub.s32 s22, s31;
	s24 =	simm.s32 @!p1 $0xF80  }
0x17: {  	v62 =	vld [tilespmem:s17+$0x20];
	[tilespmem:s19+$0x810 ss:$0x81] =	vst.msk $0xffff, v5;
	s22 =	ssub.s32 s24, s25;
	s26 =	ssub.s32 $0xC8, s18;
	s23 =	smul.u32 $0xC8, s29  }
0x18: {  	v63 =	vld [tilespmem:s17+$0xFFFFFFC0];
	[tilespmem:s19+$0x1020 ss:$0x81] =	vst.msk $0xffff, v58;
	s27 =	sadd.s32 $0xFFFFFF39, s18;
	s18 =	smul.u32 $0x64, s26;
	s28 =	sadd.s32 $0xFFFFF080, s22  }
0x19: {  	[tilespmem:s19+$0x1830 ss:$0x81] =	vst.msk $0xffff, v59;
	p1 =	sgt.s32 s27, $0x0;
	s17 =	ssub.s32 $0x1000, s22;
	p2 =	sgt.s32 s28, $0x7F  }
0x1a: {  	s30 =	sand.u32 $0x7, s10;
	[tilespmem:s19+$0x2040 ss:$0x81] =	vst.msk $0xffff, v60;
	s18 =	simm.s32 @p1 $0x0;
	s17 =	simm.s32 @p2 $0x0  }
0x1b: {  	[tilespmem:s19+$0x2850 ss:$0x81] =	vst.msk $0xffff, v61;
	s29 =	sshrl.u32 s21, $0x3;
	s20 =	ssub.s32 s20, s23;
	s17 =	smul.u32 s17, s18  }
0x1c: {  	[tilespmem:s19+$0x3060 ss:$0x81] =	vst.msk $0xffff, v62;
	s21 =	sshll.u32 s30, $0x12;
	s20 =	sshll.u32 s20, $0x9;
	s18 =	sadd.s32 s3, s29  }
0x1d: {  	[tilespmem:s19+$0x0 ss:$0x81] =	vst.msk $0xffff, v63;
	s31 =	sor.u32 $0x80, s21;
	s18 =	sadd.s32 s20, s18;
	s17 =	sand.u32 $0x3FFFFFFC, s17  }
0x1e: {  	[hbm4b:s18+s31] =	stream.strided.scatter [tilespmem:s16], [sflag:$0x2], s17, s8, s31, $0x20;
	[tilespmem:$0x10100] =	vst v63  }
.LBB1_5:
0x1f: {  	p1 =	slt.u32 s13, $0x2  }
0x20: {  	s17 =	smov.u32 s15;
	p2 =	sgt.s32 @!p1 s15, $0xC7;
	s16 =	sshra.s32 @!p1 s15, $0x1F  }
0x21: {  	p3 =	sgt.s32 @!p1 s14, $0xF80;
	s18 =	sshra.s32 @!p1 s14, $0x1F;
	p2 =	por !p2, p1  }
0x22: {  	s15 =	sand.u32 @!p1 s16, s15;
	p3 =	por !p3, p1;
	s16 =	smov.u32 s14  }
0x23: {  	s14 =	sand.u32 @!p1 s18, s14;
	s17 =	simm.s32 @p2 $0xC7;
	s16 =	simm.s32 @p3 $0xF80  }
0x24: {  	s18 =	smov.u32 s12;
	s15 =	ssub.s32 @!p1 s17, s15;
	s14 =	ssub.s32 @!p1 s16, s14  }
0x25: {  	s16 =	sadd.s32 @!p1 $0xFFFFFF39, s15;
	s15 =	ssub.s32 @!p1 $0xC8, s15;
	s17 =	sadd.s32 @!p1 $0xFFFFF080, s14  }
0x26: {  	p2 =	sgt.s32 @!p1 s16, $0x0;
	s15 =	smul.u32 @!p1 $0x64, s15;
	p3 =	sgt.s32 @!p1 s17, $0x7F  }
0x27: {  	s14 =	ssub.s32 @!p1 $0x1000, s14;
	p2 =	por !p2, p1;
	p3 =	por !p3, p1  }
0x28: {  	s16 =	sadd.s32 $0x1, s11;
	s15 =	simm.s32 @!p2 $0x0;
	s14 =	simm.s32 @!p3 $0x0  }
0x29: {  	p2 =	sgt.s32 s16, $0xC7;
	s14 =	smul.u32 @!p1 s14, s15;
	s15 =	sadd.s32 $0x1000, s12  }
0x2a: {  	s18 =	smov.u32 @p2 s15  }
0x2b: {  	s16 =	simm.s32 @p2 $0x0;
	p2 =	sgt.s32 s18, $0xFFF  }
0x2c: {  	s18 =	smov.u32 @p2 s2;
	p2 =	sne.s32 s13, s7  }
.Ltmp1:
0x2d: {  	p0 =	por !p0, !p0;
	s17 =	simm.s32 @!p1 $0x2;
	(pc) =	sbr.rel @!p2 .LBB1_6-.Ltmp1, $4  }
0x2e: {  	s15 =	smov.u32 s9;
	s9 =	smov.u32 s11;
	s14 =	sand.u32 @!p1 $0x3FFFFFFC, s14  }
0x2f: {  	s11 =	smov.u32 s16;
	_ =	swait.ge @!p1 [sflag:s17], s14;
	s19 =	ssub.s32 @!p1 $0x0, s14  }
0x30: {  	s14 =	smov.u32 s10;
	s13 =	sadd.s32 $0x1, s13;
	[sflag:s17] =	ssyncset.done @!p1 $0x0  }
0x31: {  	s10 =	smov.u32 s12;
	s12 =	smov.u32 s18;
	[sflag:s17] =	ssyncadd.s32 @!p1 s19  }
.LBB1_1:
0x32: {  	p1 =	sge.u32 s13, s5  }
0x33: {  	s16 =	sand.u32 @!p1 $0x1FFFFFF, s11  }
0x34: {  	s17 =	smulhi.u32 @!p1 $0x147AE15, s16;
	_ =	sdelay $0x1  }
0x35: {  	s17 =	smul.u32 @!p1 $0xC8, s17  }
0x36: {  	s18 =	sxor.u32 @!p1 $0xFFFFFFFF, s13;
	s19 =	smul.u32 @!p1 $0xC80, s12  }
0x37: {  	s31 =	sadd.s32 $0xFFFFFFFF, s13;
	s18 =	sshll.u32 @!p1 s18, $0xE;
	s16 =	ssub.s32 @!p1 s16, s17  }
0x38: {  	s17 =	sand.u32 @!p1 $0x4000, s18;
	s18 =	sadd.s32 @!p1 s6, s19;
	s16 =	sshll.u32 @!p1 s16, $0x4  }
0x39: {  	s19 =	simm.s32 @!p1 $0x6400;
	s16 =	sadd.s32 @!p1 s16, s18;
	s18 =	simm.s32 @!p1 $0x80  }
0x3a: {  	[tilespmem:s17], [sflag:$0x1] =	stream.strided.gather @!p1 [hbm4b:s16+s18], $0x4000, s19, s18, $0x38;
	[tilespmem:$0x10100] =	vst v63  }
0x3b: {  	p1 =	sge.u32 s31, s5  }
.Ltmp2:
0x3c: {  	_ = 	snop;
	(pc) =	sbr.rel @p1 .LBB1_5-.Ltmp2, $1  }
0x3d: {  	_ =	sdelay $0x3  }
0x3e: {  	s16 =	simm.s32 $0x1  }
0x3f: {  	_ =	swait.ge [sflag:s4], $0x4000;
	s16 =	simm.s32 @!p0 $0x0  }
0x40: {  	[sflag:s4] =	ssyncset.done $0x0;
	s17 =	sshll.u32 s16, $0xE  }
0x41: {  	[sflag:s4] =	ssyncadd.s32 $0xFFFFC000;
	s17 =	sor.u32 $0x40, s17  }
0x42: {  	s16 =	smul.u32 $0x10200, s16;
	v0 =	vld [tilespmem:s17+$0x30]  }
0x43: {  	v1 =	vld [tilespmem:s17+$0xFFFFFFD0]  }
0x44: {  	s16 =	sshrl.u32 s16, $0x2;
	v5 =	vld [tilespmem:s17+$0xFFFFFFE0]  }
0x45: {  	v6 =	vld [tilespmem:s17+$0xFFFFFFF0];
	s19 =	sor.u32 $0x8000, s16  }
0x46: {  	s31 =	sand.u32 $0x1, s13;
	v4 =	vld [tilespmem:s17+$0x0];
	s18 =	sadd.s32 $0x0, s19  }
0x47: {  	v3 =	vld [tilespmem:s17+$0x10];
	s16 =	smul.u32 $0x10200, s31;
	[tilespmem:s18+$0x3870 ss:$0x81] =	vst.msk $0xffff, v0  }
0x48: {  	v2 =	vld [tilespmem:s17+$0x20];
	[tilespmem:s18+$0x810 ss:$0x81] =	vst.msk $0xffff, v1  }
0x49: {  	s16 =	sshrl.u32 s16, $0x2;
	v1 =	vld [tilespmem:s17+$0xFFFFFFC0];
	[tilespmem:s18+$0x1020 ss:$0x81] =	vst.msk $0xffff, v5;
	s17 =	sadd.s32 $0x80, s17  }
0x4a: {  	s20 =	simm.s32 $0x4;
	s21 =	simm.s32 $0x8;
	s16 =	sor.u32 $0x8000, s16;
	[tilespmem:s18+$0x1830 ss:$0x81] =	vst.msk $0xffff, v6;
	v0 =	vld [tilespmem:s17+$0x30]  }
.LBB1_3:
0x4b: {  	p1 =	sne.s32 s21, $0x1FC;
	v5 =	vld [tilespmem:s17+$0xFFFFFFD0];
	[tilespmem:s18+$0x2040 ss:$0x81] =	vst.msk $0xffff, v4  }
0x4c: {  	v6 =	vld [tilespmem:s17+$0xFFFFFFE0];
	[tilespmem:s18+$0x2850 ss:$0x81] =	vst.msk $0xffff, v3  }
0x4d: {  	s22 =	sshra.s32 s20, $0x2;
	s20 =	smov.u32 s21;
	v7 =	vld [tilespmem:s17+$0xFFFFFFF0];
	[tilespmem:s18+$0x3060 ss:$0x81] =	vst.msk $0xffff, v2  }
.Ltmp3:
0x4e: {  	v4 =	vld [tilespmem:s17+$0x0];
	[tilespmem:s18+$0x0 ss:$0x81] =	vst.msk $0xffff, v1;
	s18 =	sadd.s32 s22, s19;
	(pc) =	sbr.rel @p1 .LBB1_3-.Ltmp3, $4  }
0x4f: {  	v3 =	vld [tilespmem:s17+$0x10];
	[tilespmem:s18+$0x3870 ss:$0x81] =	vst.msk $0xffff, v0  }
0x50: {  	[tilespmem:s18+$0x810 ss:$0x81] =	vst.msk $0xffff, v5;
	v2 =	vld [tilespmem:s17+$0x20]  }
0x51: {  	v1 =	vld [tilespmem:s17+$0xFFFFFFC0];
	[tilespmem:s18+$0x1020 ss:$0x81] =	vst.msk $0xffff, v6;
	s17 =	sadd.s32 $0x80, s17  }
0x52: {  	s21 =	sadd.s32 $0x4, s21;
	v0 =	vld [tilespmem:s17+$0x30];
	[tilespmem:s18+$0x1830 ss:$0x81] =	vst.msk $0xffff, v7  }
.Ltmp4:
0x53: {  	_ = 	snop;
	(pc) =	sbr.rel .LBB1_4-.Ltmp4, $1  }
0x54: {  	_ =	sdelay $0x3  }
.LBB1_6:
0x55: {  	_ =	sfence.sel $0x180000  }
0x56: {  	s2 =	simm.s32 $0x1;
	[bflag:$0x0] =	sbarrier.arrive $0xFFFF  }
0x57: {  	s31 =	simm.s32 $0x2;
	[sflag:s2] =	ssyncpa.u1 $0x1  }
0x58: {  	[sflag:s31] =	ssyncpa.u1 $0x1  }
0x59: {  	p0 =	sne.s32 s0, $0x0;
	_ =	strace $0x9000004A  }
0x5a: {  	s0 =	sadd.s32 @!p0 $0x100000, s1;
	[bflag:$0x2] =	sbarrier.arrive $0xFFFF  }
0x5b: {  	[sflag:s0] =	ssyncadd.tile.s32 @!p0 $0x1;
	_ =	shalt  }
.Lfunc_end1:
_tile_overlayer_lowered:
.L_overlay_start_2:
0x5c: {  	(tag) =	ssettag $0x2  }
0x5d: {  	s0 =	rddreg [dreg:$0x0];
	s2 =	stileid.u32  }
0x5e: {  	s1 =	rddreg [dreg:$0x1];
	p0 =	sne.s32 s2, $0x0  }
0x5f: {  	s3 =	rddreg [dreg:$0x2];
	[bflag:$0x3] =	sbarrier.arrive $0xFFFF;
	s2 =	simm.s32 @!p0 $0x1C01  }
0x60: {  	[timem:s3], [sflag:s2] =	dma.local @!p0 [hbm:s0], s1  }
0x61: {  	s0 =	simm.s32 @!p0 $0x1  }
0x62: {  	_ =	swait.ge @!p0 [sflag:s0], s1  }
0x63: {  	s1 =	ssub.s32 @!p0 $0x0, s1;
	[sflag:s0] =	ssyncset.done @!p0 $0x0  }
0x64: {  	[sflag:s0] =	ssyncadd.s32 @!p0 s1  }
0x65: {  	[bflag:$0x3] =	sbarrier.arrive $0xFFFF  }
0x66: {  	_ =	shalt  }

</sc_bundles>
